<compile_context>
chip_gen: v7x
topology: tpu7x:2x2x1
jax: 0.10.2.dev20260603
libtpu: 0.0.44.dev20260713+nightly
codegen_flags: <defaults>
</compile_context>

<pallas_src>
import functools

import jax
import jax.numpy as jnp
from jax import lax
from jax.experimental import pallas as pl
from jax.experimental.pallas import tpu as pltpu
from jax.experimental.pallas import tpu_sc as plsc

_NC = 2
_NS = 16
_NW = _NC * _NS

_CP = 128
_CHUNK = 128


def _sc_gather_body(nrows, stage, table_hbm, idx_hbm, out_hbm, idx_v, rows_v, sem):
    wid = lax.axis_index("s") * _NC + lax.axis_index("c")
    base = wid * nrows
    pltpu.sync_copy(idx_hbm.at[pl.ds(base, nrows)], idx_v)
    sizes = []
    left = stage
    while left > 0:
        sizes.append(min(_CHUNK, left))
        left -= sizes[-1]
    for o in range(nrows // stage):
        descs = []
        r0 = 0
        for sz in sizes:
            descs.append(
                pltpu.async_copy(
                    table_hbm.at[idx_v.at[pl.ds(o * stage + r0, sz)]],
                    rows_v.at[pl.ds(r0, sz)],
                    sem,
                )
            )
            r0 += sz
        for desc in descs:
            desc.wait()
        pltpu.sync_copy(rows_v, out_hbm.at[pl.ds(base + o * stage, stage)])


def _make_sc_gather(n_rows_total):
    nrows = n_rows_total // _NW
    stage = 800
    assert nrows % stage == 0
    mesh = plsc.VectorSubcoreMesh(core_axis_name="c", subcore_axis_name="s")
    return pl.kernel(
        functools.partial(_sc_gather_body, nrows, stage),
        mesh=mesh,
        out_type=jax.ShapeDtypeStruct((n_rows_total, _CP), jnp.float32),
        scratch_types=[
            pltpu.VMEM((nrows,), jnp.int32),
            pltpu.VMEM((stage, _CP), jnp.float32),
            pltpu.SemaphoreType.DMA,
        ],
    )


def _head_body(bb, t, x_ref, pos_ref, w_ref, b_ref, o_ref):
    w = w_ref[...]
    bias = b_ref[...]
    pos = pos_ref[...]
    for j in range(bb):
        x = x_ref[pl.ds(j * t, t), :] + pos
        o_ref[j] = jnp.dot(x, w, preferred_element_type=jnp.float32) + bias


def kernel(idx, token_table, pos_table, W, b):
    B, T = idx.shape
    V, C = token_table.shape
    R = B * T
    idx_flat = idx.reshape(R).astype(jnp.int32)

    table_p = jnp.pad(token_table, ((0, 0), (0, _CP - C)))
    tok = _make_sc_gather(R)(table_p, idx_flat)

    BB = 64
    pos_p = jnp.pad(pos_table, ((0, 0), (0, _CP - C)))
    W_p = jnp.pad(W, ((0, _CP - C), (0, 0)))
    b2 = b.reshape(1, V)

    grid = B // BB
    out = pl.pallas_call(
        functools.partial(_head_body, BB, T),
        grid=(grid,),
        in_specs=[
            pl.BlockSpec((BB * T, _CP), lambda i: (i, 0)),
            pl.BlockSpec((T, _CP), lambda i: (0, 0)),
            pl.BlockSpec((_CP, V), lambda i: (0, 0)),
            pl.BlockSpec((1, V), lambda i: (0, 0)),
        ],
        out_specs=pl.BlockSpec((BB, T, V), lambda i: (i, 0, 0)),
        out_shape=jax.ShapeDtypeStruct((B, T, V), jnp.float32),
    )(tok, pos_p, W_p, b2)

    return out

# --- scband reference (transcript-rebuilt; emitter-appended) ---
"""Pipeline reference for scband-bigram-language-model-10531259810648 (READ-ONLY COPY).

The authoritative reference and input builder live on the scoring server;
editing this copy changes nothing except your own understanding.
"""

import jax, jax.numpy as jnp
import numpy as np

VOCAB = 1000
N_EMBED = 32
BLOCK = 50
B = 1024
T = 50

def setup_inputs(seed: int = 0) -> dict:
    key = jax.random.key(seed)
    k1, k2, k3, k4, k5 = jax.random.split(key, 5)
    idx = jax.random.randint(k1, (B, T), 0, VOCAB, dtype=jnp.int64) if jax.config.jax_enable_x64 else jax.random.randint(k1, (B, T), 0, VOCAB, dtype=jnp.int32)
    token_table = jax.random.normal(k2, (VOCAB, N_EMBED), dtype=jnp.float32)
    pos_table = jax.random.normal(k3, (BLOCK, N_EMBED), dtype=jnp.float32)
    # lm_head: Linear(n_embed, vocab) with default torch init
    bound = 1.0 / np.sqrt(N_EMBED)
    W = jax.random.uniform(k4, (N_EMBED, VOCAB), dtype=jnp.float32, minval=-bound, maxval=bound)
    b = jax.random.uniform(k5, (VOCAB,), dtype=jnp.float32, minval=-bound, maxval=bound)
    return {"idx": idx, "token_table": token_table, "pos_table": pos_table, "W": W, "b": b}

def reference(idx, token_table, pos_table, W, b):
    # token embedding lookup: gather rows of the embedding table
    tok = jnp.take(token_table, idx, axis=0)            # (B, T, n_embed)
    Tlen = idx.shape[1]
    pos = jnp.take(pos_table, jnp.arange(Tlen), axis=0) # (T, n_embed)
    x = tok + pos[None, :, :]                           # (B, T, n_embed)
    logits = jnp.einsum('btc,cv->btv', x, W) + b        # (B, T, vocab)
    # targets=None branch: loss is None; return logits (forward output)
    return logits

if __name__ == "__main__":
    import jax
    _d = setup_inputs()
    print(jax.jit(kernel)(*tuple(_d.values())))

</pallas_src>

<mosaic_0001>
#map = affine_map<(d0, d1) -> (0, 0)>
#map1 = affine_map<(d0, d1) -> (0)>
module attributes {stable_mosaic.version = 14 : i64} {
  func.func @_sc_gather_body(%arg0: i32, %arg1: i32, %arg2: memref<1000x128xf32, #tpu.memory_space<hbm>>, %arg3: memref<51200xi32, #tpu.memory_space<hbm>>, %arg4: memref<51200x128xf32, #tpu.memory_space<hbm>>, %arg5: memref<1600xi32, #tpu.memory_space<vmem>>, %arg6: memref<800x128xf32, #tpu.memory_space<vmem>>, %arg7: memref<!tpu.dma_semaphore, #tpu.memory_space<semaphore_mem>>) attributes {dimension_semantics = [#tpu.dimension_semantics<core_parallel>, #tpu.dimension_semantics<subcore_parallel>], iteration_bounds = array<i64: 2, 16>, scalar_prefetch = 0 : i64, scratch_operands = 3 : i64, tpu.core_type = #tpu.core_type<sc_vector_subcore>, window_params = [{transform_indices = #map}, {transform_indices = #map1}, {transform_indices = #map}]} {
    %mul3A = arith.constant 2 : i32
    %mul3A_0 = arith.muli %arg1, %mul3A : i32
    %add3A = arith.addi %mul3A_0, %arg0 : i32
    %mul3A_1 = arith.constant 1600 : i32
    %mul3A_2 = arith.muli %add3A, %mul3A_1 : i32
    "tpu.region"() ({
      %run_scoped3A = tpu.sem_alloc : memref<!tpu.dma_semaphore, #tpu.memory_space<semaphore_mem>>
      %dma_start3A_229 = tpu.memref_slice %arg3[%mul3A_2] : memref<51200xi32, #tpu.memory_space<hbm>> -> memref<1600xi32, #tpu.memory_space<hbm>>
      %dma_start3A_230 = tpu.memref_slice %arg3[%mul3A_2] : memref<51200xi32, #tpu.memory_space<hbm>> -> memref<1600xi32, #tpu.memory_space<hbm>>
      tpu.enqueue_dma source(%dma_start3A_230 : memref<1600xi32, #tpu.memory_space<hbm>>) target(%arg5 : memref<1600xi32, #tpu.memory_space<vmem>>) target_semaphore(%run_scoped3A : memref<!tpu.dma_semaphore, #tpu.memory_space<semaphore_mem>>)
      %dma_wait3A_231 = tpu.memref_slice %arg3[%mul3A_2] : memref<51200xi32, #tpu.memory_space<hbm>> -> memref<1600xi32, #tpu.memory_space<hbm>>
      %dma_wait3A_232 = tpu.memref_slice %arg3[%mul3A_2] : memref<51200xi32, #tpu.memory_space<hbm>> -> memref<1600xi32, #tpu.memory_space<hbm>>
      tpu.wait_dma2 semaphore(%run_scoped3A : memref<!tpu.dma_semaphore, #tpu.memory_space<semaphore_mem>>) src(%dma_wait3A_232 : memref<1600xi32, #tpu.memory_space<hbm>>) dst(%arg5 : memref<1600xi32, #tpu.memory_space<vmem>>)
      tpu.yield
    }) : () -> ()
    %dma_start3A = arith.constant 0 : i32
    %dma_start3A_3 = arith.constant 0 : i32
    %dma_start3A_4 = tpu.memref_slice %arg6[%dma_start3A, %dma_start3A_3] : memref<800x128xf32, #tpu.memory_space<vmem>> -> memref<128x128xf32, #tpu.memory_space<vmem>>
    %dma_start3A_5 = arith.constant 0 : i32
    %dma_start3A_6 = tpu.memref_slice %arg5[%dma_start3A_5] : memref<1600xi32, #tpu.memory_space<vmem>> -> memref<128xi32, #tpu.memory_space<vmem>>
    %dma_start3A_7 = arith.constant 0 : i32
    %dma_start3A_8 = arith.constant 0 : i32
    %dma_start3A_9 = tpu.memref_slice %arg2[%dma_start3A_7, %dma_start3A_8] : memref<1000x128xf32, #tpu.memory_space<hbm>> -> memref<1000x128xf32, #tpu.memory_space<hbm>>
    tpu.enqueue_indirect_dma source(%dma_start3A_9 : memref<1000x128xf32, #tpu.memory_space<hbm>>) target(%dma_start3A_4 : memref<128x128xf32, #tpu.memory_space<vmem>>) offsets(%dma_start3A_6 : memref<128xi32, #tpu.memory_space<vmem>>) semaphore(%arg7 : memref<!tpu.dma_semaphore, #tpu.memory_space<semaphore_mem>>)
    %dma_start3A_10 = arith.constant 128 : i32
    %dma_start3A_11 = arith.constant 0 : i32
    %dma_start3A_12 = tpu.memref_slice %arg6[%dma_start3A_10, %dma_start3A_11] : memref<800x128xf32, #tpu.memory_space<vmem>> -> memref<128x128xf32, #tpu.memory_space<vmem>>
    %dma_start3A_13 = arith.constant 128 : i32
    %dma_start3A_14 = tpu.memref_slice %arg5[%dma_start3A_13] : memref<1600xi32, #tpu.memory_space<vmem>> -> memref<128xi32, #tpu.memory_space<vmem>>
    %dma_start3A_15 = arith.constant 0 : i32
    %dma_start3A_16 = arith.constant 0 : i32
    %dma_start3A_17 = tpu.memref_slice %arg2[%dma_start3A_15, %dma_start3A_16] : memref<1000x128xf32, #tpu.memory_space<hbm>> -> memref<1000x128xf32, #tpu.memory_space<hbm>>
    tpu.enqueue_indirect_dma source(%dma_start3A_17 : memref<1000x128xf32, #tpu.memory_space<hbm>>) target(%dma_start3A_12 : memref<128x128xf32, #tpu.memory_space<vmem>>) offsets(%dma_start3A_14 : memref<128xi32, #tpu.memory_space<vmem>>) semaphore(%arg7 : memref<!tpu.dma_semaphore, #tpu.memory_space<semaphore_mem>>)
    %dma_start3A_18 = arith.constant 256 : i32
    %dma_start3A_19 = arith.constant 0 : i32
    %dma_start3A_20 = tpu.memref_slice %arg6[%dma_start3A_18, %dma_start3A_19] : memref<800x128xf32, #tpu.memory_space<vmem>> -> memref<128x128xf32, #tpu.memory_space<vmem>>
    %dma_start3A_21 = arith.constant 256 : i32
    %dma_start3A_22 = tpu.memref_slice %arg5[%dma_start3A_21] : memref<1600xi32, #tpu.memory_space<vmem>> -> memref<128xi32, #tpu.memory_space<vmem>>
    %dma_start3A_23 = arith.constant 0 : i32
    %dma_start3A_24 = arith.constant 0 : i32
    %dma_start3A_25 = tpu.memref_slice %arg2[%dma_start3A_23, %dma_start3A_24] : memref<1000x128xf32, #tpu.memory_space<hbm>> -> memref<1000x128xf32, #tpu.memory_space<hbm>>
    tpu.enqueue_indirect_dma source(%dma_start3A_25 : memref<1000x128xf32, #tpu.memory_space<hbm>>) target(%dma_start3A_20 : memref<128x128xf32, #tpu.memory_space<vmem>>) offsets(%dma_start3A_22 : memref<128xi32, #tpu.memory_space<vmem>>) semaphore(%arg7 : memref<!tpu.dma_semaphore, #tpu.memory_space<semaphore_mem>>)
    %dma_start3A_26 = arith.constant 384 : i32
    %dma_start3A_27 = arith.constant 0 : i32
    %dma_start3A_28 = tpu.memref_slice %arg6[%dma_start3A_26, %dma_start3A_27] : memref<800x128xf32, #tpu.memory_space<vmem>> -> memref<128x128xf32, #tpu.memory_space<vmem>>
    %dma_start3A_29 = arith.constant 384 : i32
    %dma_start3A_30 = tpu.memref_slice %arg5[%dma_start3A_29] : memref<1600xi32, #tpu.memory_space<vmem>> -> memref<128xi32, #tpu.memory_space<vmem>>
    %dma_start3A_31 = arith.constant 0 : i32
    %dma_start3A_32 = arith.constant 0 : i32
    %dma_start3A_33 = tpu.memref_slice %arg2[%dma_start3A_31, %dma_start3A_32] : memref<1000x128xf32, #tpu.memory_space<hbm>> -> memref<1000x128xf32, #tpu.memory_space<hbm>>
    tpu.enqueue_indirect_dma source(%dma_start3A_33 : memref<1000x128xf32, #tpu.memory_space<hbm>>) target(%dma_start3A_28 : memref<128x128xf32, #tpu.memory_space<vmem>>) offsets(%dma_start3A_30 : memref<128xi32, #tpu.memory_space<vmem>>) semaphore(%arg7 : memref<!tpu.dma_semaphore, #tpu.memory_space<semaphore_mem>>)
    %dma_start3A_34 = arith.constant 512 : i32
    %dma_start3A_35 = arith.constant 0 : i32
    %dma_start3A_36 = tpu.memref_slice %arg6[%dma_start3A_34, %dma_start3A_35] : memref<800x128xf32, #tpu.memory_space<vmem>> -> memref<128x128xf32, #tpu.memory_space<vmem>>
    %dma_start3A_37 = arith.constant 512 : i32
    %dma_start3A_38 = tpu.memref_slice %arg5[%dma_start3A_37] : memref<1600xi32, #tpu.memory_space<vmem>> -> memref<128xi32, #tpu.memory_space<vmem>>
    %dma_start3A_39 = arith.constant 0 : i32
    %dma_start3A_40 = arith.constant 0 : i32
    %dma_start3A_41 = tpu.memref_slice %arg2[%dma_start3A_39, %dma_start3A_40] : memref<1000x128xf32, #tpu.memory_space<hbm>> -> memref<1000x128xf32, #tpu.memory_space<hbm>>
    tpu.enqueue_indirect_dma source(%dma_start3A_41 : memref<1000x128xf32, #tpu.memory_space<hbm>>) target(%dma_start3A_36 : memref<128x128xf32, #tpu.memory_space<vmem>>) offsets(%dma_start3A_38 : memref<128xi32, #tpu.memory_space<vmem>>) semaphore(%arg7 : memref<!tpu.dma_semaphore, #tpu.memory_space<semaphore_mem>>)
    %dma_start3A_42 = arith.constant 640 : i32
    %dma_start3A_43 = arith.constant 0 : i32
    %dma_start3A_44 = tpu.memref_slice %arg6[%dma_start3A_42, %dma_start3A_43] : memref<800x128xf32, #tpu.memory_space<vmem>> -> memref<128x128xf32, #tpu.memory_space<vmem>>
    %dma_start3A_45 = arith.constant 640 : i32
    %dma_start3A_46 = tpu.memref_slice %arg5[%dma_start3A_45] : memref<1600xi32, #tpu.memory_space<vmem>> -> memref<128xi32, #tpu.memory_space<vmem>>
    %dma_start3A_47 = arith.constant 0 : i32
    %dma_start3A_48 = arith.constant 0 : i32
    %dma_start3A_49 = tpu.memref_slice %arg2[%dma_start3A_47, %dma_start3A_48] : memref<1000x128xf32, #tpu.memory_space<hbm>> -> memref<1000x128xf32, #tpu.memory_space<hbm>>
    tpu.enqueue_indirect_dma source(%dma_start3A_49 : memref<1000x128xf32, #tpu.memory_space<hbm>>) target(%dma_start3A_44 : memref<128x128xf32, #tpu.memory_space<vmem>>) offsets(%dma_start3A_46 : memref<128xi32, #tpu.memory_space<vmem>>) semaphore(%arg7 : memref<!tpu.dma_semaphore, #tpu.memory_space<semaphore_mem>>)
    %dma_start3A_50 = arith.constant 768 : i32
    %dma_start3A_51 = arith.constant 0 : i32
    %dma_start3A_52 = tpu.memref_slice %arg6[%dma_start3A_50, %dma_start3A_51] : memref<800x128xf32, #tpu.memory_space<vmem>> -> memref<32x128xf32, #tpu.memory_space<vmem>>
    %dma_start3A_53 = arith.constant 768 : i32
    %dma_start3A_54 = tpu.memref_slice %arg5[%dma_start3A_53] : memref<1600xi32, #tpu.memory_space<vmem>> -> memref<32xi32, #tpu.memory_space<vmem>>
    %dma_start3A_55 = arith.constant 0 : i32
    %dma_start3A_56 = arith.constant 0 : i32
    %dma_start3A_57 = tpu.memref_slice %arg2[%dma_start3A_55, %dma_start3A_56] : memref<1000x128xf32, #tpu.memory_space<hbm>> -> memref<1000x128xf32, #tpu.memory_space<hbm>>
    tpu.enqueue_indirect_dma source(%dma_start3A_57 : memref<1000x128xf32, #tpu.memory_space<hbm>>) target(%dma_start3A_52 : memref<32x128xf32, #tpu.memory_space<vmem>>) offsets(%dma_start3A_54 : memref<32xi32, #tpu.memory_space<vmem>>) semaphore(%arg7 : memref<!tpu.dma_semaphore, #tpu.memory_space<semaphore_mem>>)
    %dma_wait3A = arith.constant 0 : i32
    %dma_wait3A_58 = arith.constant 0 : i32
    %dma_wait3A_59 = tpu.memref_slice %arg6[%dma_wait3A, %dma_wait3A_58] : memref<800x128xf32, #tpu.memory_space<vmem>> -> memref<128x128xf32, #tpu.memory_space<vmem>>
    %dma_wait3A_60 = arith.constant 0 : i32
    %dma_wait3A_61 = tpu.memref_slice %arg5[%dma_wait3A_60] : memref<1600xi32, #tpu.memory_space<vmem>> -> memref<128xi32, #tpu.memory_space<vmem>>
    %dma_wait3A_62 = arith.constant 0 : i32
    %dma_wait3A_63 = arith.constant 0 : i32
    %dma_wait3A_64 = tpu.memref_slice %arg2[%dma_wait3A_62, %dma_wait3A_63] : memref<1000x128xf32, #tpu.memory_space<hbm>> -> memref<1000x128xf32, #tpu.memory_space<hbm>>
    tpu.wait_indirect_dma semaphore(%arg7 : memref<!tpu.dma_semaphore, #tpu.memory_space<semaphore_mem>>) src(%dma_wait3A_64 : memref<1000x128xf32, #tpu.memory_space<hbm>>) dst(%dma_wait3A_59 : memref<128x128xf32, #tpu.memory_space<vmem>>)
    %dma_wait3A_65 = arith.constant 128 : i32
    %dma_wait3A_66 = arith.constant 0 : i32
    %dma_wait3A_67 = tpu.memref_slice %arg6[%dma_wait3A_65, %dma_wait3A_66] : memref<800x128xf32, #tpu.memory_space<vmem>> -> memref<128x128xf32, #tpu.memory_space<vmem>>
    %dma_wait3A_68 = arith.constant 128 : i32
    %dma_wait3A_69 = tpu.memref_slice %arg5[%dma_wait3A_68] : memref<1600xi32, #tpu.memory_space<vmem>> -> memref<128xi32, #tpu.memory_space<vmem>>
    %dma_wait3A_70 = arith.constant 0 : i32
    %dma_wait3A_71 = arith.constant 0 : i32
    %dma_wait3A_72 = tpu.memref_slice %arg2[%dma_wait3A_70, %dma_wait3A_71] : memref<1000x128xf32, #tpu.memory_space<hbm>> -> memref<1000x128xf32, #tpu.memory_space<hbm>>
    tpu.wait_indirect_dma semaphore(%arg7 : memref<!tpu.dma_semaphore, #tpu.memory_space<semaphore_mem>>) src(%dma_wait3A_72 : memref<1000x128xf32, #tpu.memory_space<hbm>>) dst(%dma_wait3A_67 : memref<128x128xf32, #tpu.memory_space<vmem>>)
    %dma_wait3A_73 = arith.constant 256 : i32
    %dma_wait3A_74 = arith.constant 0 : i32
    %dma_wait3A_75 = tpu.memref_slice %arg6[%dma_wait3A_73, %dma_wait3A_74] : memref<800x128xf32, #tpu.memory_space<vmem>> -> memref<128x128xf32, #tpu.memory_space<vmem>>
    %dma_wait3A_76 = arith.constant 256 : i32
    %dma_wait3A_77 = tpu.memref_slice %arg5[%dma_wait3A_76] : memref<1600xi32, #tpu.memory_space<vmem>> -> memref<128xi32, #tpu.memory_space<vmem>>
    %dma_wait3A_78 = arith.constant 0 : i32
    %dma_wait3A_79 = arith.constant 0 : i32
    %dma_wait3A_80 = tpu.memref_slice %arg2[%dma_wait3A_78, %dma_wait3A_79] : memref<1000x128xf32, #tpu.memory_space<hbm>> -> memref<1000x128xf32, #tpu.memory_space<hbm>>
    tpu.wait_indirect_dma semaphore(%arg7 : memref<!tpu.dma_semaphore, #tpu.memory_space<semaphore_mem>>) src(%dma_wait3A_80 : memref<1000x128xf32, #tpu.memory_space<hbm>>) dst(%dma_wait3A_75 : memref<128x128xf32, #tpu.memory_space<vmem>>)
    %dma_wait3A_81 = arith.constant 384 : i32
    %dma_wait3A_82 = arith.constant 0 : i32
    %dma_wait3A_83 = tpu.memref_slice %arg6[%dma_wait3A_81, %dma_wait3A_82] : memref<800x128xf32, #tpu.memory_space<vmem>> -> memref<128x128xf32, #tpu.memory_space<vmem>>
    %dma_wait3A_84 = arith.constant 384 : i32
    %dma_wait3A_85 = tpu.memref_slice %arg5[%dma_wait3A_84] : memref<1600xi32, #tpu.memory_space<vmem>> -> memref<128xi32, #tpu.memory_space<vmem>>
    %dma_wait3A_86 = arith.constant 0 : i32
    %dma_wait3A_87 = arith.constant 0 : i32
    %dma_wait3A_88 = tpu.memref_slice %arg2[%dma_wait3A_86, %dma_wait3A_87] : memref<1000x128xf32, #tpu.memory_space<hbm>> -> memref<1000x128xf32, #tpu.memory_space<hbm>>
    tpu.wait_indirect_dma semaphore(%arg7 : memref<!tpu.dma_semaphore, #tpu.memory_space<semaphore_mem>>) src(%dma_wait3A_88 : memref<1000x128xf32, #tpu.memory_space<hbm>>) dst(%dma_wait3A_83 : memref<128x128xf32, #tpu.memory_space<vmem>>)
    %dma_wait3A_89 = arith.constant 512 : i32
    %dma_wait3A_90 = arith.constant 0 : i32
    %dma_wait3A_91 = tpu.memref_slice %arg6[%dma_wait3A_89, %dma_wait3A_90] : memref<800x128xf32, #tpu.memory_space<vmem>> -> memref<128x128xf32, #tpu.memory_space<vmem>>
    %dma_wait3A_92 = arith.constant 512 : i32
    %dma_wait3A_93 = tpu.memref_slice %arg5[%dma_wait3A_92] : memref<1600xi32, #tpu.memory_space<vmem>> -> memref<128xi32, #tpu.memory_space<vmem>>
    %dma_wait3A_94 = arith.constant 0 : i32
    %dma_wait3A_95 = arith.constant 0 : i32
    %dma_wait3A_96 = tpu.memref_slice %arg2[%dma_wait3A_94, %dma_wait3A_95] : memref<1000x128xf32, #tpu.memory_space<hbm>> -> memref<1000x128xf32, #tpu.memory_space<hbm>>
    tpu.wait_indirect_dma semaphore(%arg7 : memref<!tpu.dma_semaphore, #tpu.memory_space<semaphore_mem>>) src(%dma_wait3A_96 : memref<1000x128xf32, #tpu.memory_space<hbm>>) dst(%dma_wait3A_91 : memref<128x128xf32, #tpu.memory_space<vmem>>)
    %dma_wait3A_97 = arith.constant 640 : i32
    %dma_wait3A_98 = arith.constant 0 : i32
    %dma_wait3A_99 = tpu.memref_slice %arg6[%dma_wait3A_97, %dma_wait3A_98] : memref<800x128xf32, #tpu.memory_space<vmem>> -> memref<128x128xf32, #tpu.memory_space<vmem>>
    %dma_wait3A_100 = arith.constant 640 : i32
    %dma_wait3A_101 = tpu.memref_slice %arg5[%dma_wait3A_100] : memref<1600xi32, #tpu.memory_space<vmem>> -> memref<128xi32, #tpu.memory_space<vmem>>
    %dma_wait3A_102 = arith.constant 0 : i32
    %dma_wait3A_103 = arith.constant 0 : i32
    %dma_wait3A_104 = tpu.memref_slice %arg2[%dma_wait3A_102, %dma_wait3A_103] : memref<1000x128xf32, #tpu.memory_space<hbm>> -> memref<1000x128xf32, #tpu.memory_space<hbm>>
    tpu.wait_indirect_dma semaphore(%arg7 : memref<!tpu.dma_semaphore, #tpu.memory_space<semaphore_mem>>) src(%dma_wait3A_104 : memref<1000x128xf32, #tpu.memory_space<hbm>>) dst(%dma_wait3A_99 : memref<128x128xf32, #tpu.memory_space<vmem>>)
    %dma_wait3A_105 = arith.constant 768 : i32
    %dma_wait3A_106 = arith.constant 0 : i32
    %dma_wait3A_107 = tpu.memref_slice %arg6[%dma_wait3A_105, %dma_wait3A_106] : memref<800x128xf32, #tpu.memory_space<vmem>> -> memref<32x128xf32, #tpu.memory_space<vmem>>
    %dma_wait3A_108 = arith.constant 768 : i32
    %dma_wait3A_109 = tpu.memref_slice %arg5[%dma_wait3A_108] : memref<1600xi32, #tpu.memory_space<vmem>> -> memref<32xi32, #tpu.memory_space<vmem>>
    %dma_wait3A_110 = arith.constant 0 : i32
    %dma_wait3A_111 = arith.constant 0 : i32
    %dma_wait3A_112 = tpu.memref_slice %arg2[%dma_wait3A_110, %dma_wait3A_111] : memref<1000x128xf32, #tpu.memory_space<hbm>> -> memref<1000x128xf32, #tpu.memory_space<hbm>>
    tpu.wait_indirect_dma semaphore(%arg7 : memref<!tpu.dma_semaphore, #tpu.memory_space<semaphore_mem>>) src(%dma_wait3A_112 : memref<1000x128xf32, #tpu.memory_space<hbm>>) dst(%dma_wait3A_107 : memref<32x128xf32, #tpu.memory_space<vmem>>)
    %add3A_113 = arith.constant 0 : i32
    %add3A_114 = arith.addi %mul3A_2, %add3A_113 : i32
    "tpu.region"() ({
      %run_scoped3A = tpu.sem_alloc : memref<!tpu.dma_semaphore, #tpu.memory_space<semaphore_mem>>
      %dma_start3A_229 = arith.constant 0 : i32
      %dma_start3A_230 = tpu.memref_slice %arg4[%add3A_114, %dma_start3A_229] : memref<51200x128xf32, #tpu.memory_space<hbm>> -> memref<800x128xf32, #tpu.memory_space<hbm>>
      %dma_start3A_231 = arith.constant 0 : i32
      %dma_start3A_232 = tpu.memref_slice %arg4[%add3A_114, %dma_start3A_231] : memref<51200x128xf32, #tpu.memory_space<hbm>> -> memref<800x128xf32, #tpu.memory_space<hbm>>
      tpu.enqueue_dma source(%arg6 : memref<800x128xf32, #tpu.memory_space<vmem>>) target(%dma_start3A_232 : memref<800x128xf32, #tpu.memory_space<hbm>>) target_semaphore(%run_scoped3A : memref<!tpu.dma_semaphore, #tpu.memory_space<semaphore_mem>>)
      %dma_wait3A_233 = arith.constant 0 : i32
      %dma_wait3A_234 = tpu.memref_slice %arg4[%add3A_114, %dma_wait3A_233] : memref<51200x128xf32, #tpu.memory_space<hbm>> -> memref<800x128xf32, #tpu.memory_space<hbm>>
      %dma_wait3A_235 = arith.constant 0 : i32
      %dma_wait3A_236 = tpu.memref_slice %arg4[%add3A_114, %dma_wait3A_235] : memref<51200x128xf32, #tpu.memory_space<hbm>> -> memref<800x128xf32, #tpu.memory_space<hbm>>
      tpu.wait_dma2 semaphore(%run_scoped3A : memref<!tpu.dma_semaphore, #tpu.memory_space<semaphore_mem>>) src(%arg6 : memref<800x128xf32, #tpu.memory_space<vmem>>) dst(%dma_wait3A_236 : memref<800x128xf32, #tpu.memory_space<hbm>>)
      tpu.yield
    }) : () -> ()
    %dma_start3A_115 = arith.constant 0 : i32
    %dma_start3A_116 = arith.constant 0 : i32
    %dma_start3A_117 = tpu.memref_slice %arg6[%dma_start3A_115, %dma_start3A_116] : memref<800x128xf32, #tpu.memory_space<vmem>> -> memref<128x128xf32, #tpu.memory_space<vmem>>
    %dma_start3A_118 = arith.constant 800 : i32
    %dma_start3A_119 = tpu.memref_slice %arg5[%dma_start3A_118] : memref<1600xi32, #tpu.memory_space<vmem>> -> memref<128xi32, #tpu.memory_space<vmem>>
    %dma_start3A_120 = arith.constant 0 : i32
    %dma_start3A_121 = arith.constant 0 : i32
    %dma_start3A_122 = tpu.memref_slice %arg2[%dma_start3A_120, %dma_start3A_121] : memref<1000x128xf32, #tpu.memory_space<hbm>> -> memref<1000x128xf32, #tpu.memory_space<hbm>>
    tpu.enqueue_indirect_dma source(%dma_start3A_122 : memref<1000x128xf32, #tpu.memory_space<hbm>>) target(%dma_start3A_117 : memref<128x128xf32, #tpu.memory_space<vmem>>) offsets(%dma_start3A_119 : memref<128xi32, #tpu.memory_space<vmem>>) semaphore(%arg7 : memref<!tpu.dma_semaphore, #tpu.memory_space<semaphore_mem>>)
    %dma_start3A_123 = arith.constant 128 : i32
    %dma_start3A_124 = arith.constant 0 : i32
    %dma_start3A_125 = tpu.memref_slice %arg6[%dma_start3A_123, %dma_start3A_124] : memref<800x128xf32, #tpu.memory_space<vmem>> -> memref<128x128xf32, #tpu.memory_space<vmem>>
    %dma_start3A_126 = arith.constant 928 : i32
    %dma_start3A_127 = tpu.memref_slice %arg5[%dma_start3A_126] : memref<1600xi32, #tpu.memory_space<vmem>> -> memref<128xi32, #tpu.memory_space<vmem>>
    %dma_start3A_128 = arith.constant 0 : i32
    %dma_start3A_129 = arith.constant 0 : i32
    %dma_start3A_130 = tpu.memref_slice %arg2[%dma_start3A_128, %dma_start3A_129] : memref<1000x128xf32, #tpu.memory_space<hbm>> -> memref<1000x128xf32, #tpu.memory_space<hbm>>
    tpu.enqueue_indirect_dma source(%dma_start3A_130 : memref<1000x128xf32, #tpu.memory_space<hbm>>) target(%dma_start3A_125 : memref<128x128xf32, #tpu.memory_space<vmem>>) offsets(%dma_start3A_127 : memref<128xi32, #tpu.memory_space<vmem>>) semaphore(%arg7 : memref<!tpu.dma_semaphore, #tpu.memory_space<semaphore_mem>>)
    %dma_start3A_131 = arith.constant 256 : i32
    %dma_start3A_132 = arith.constant 0 : i32
    %dma_start3A_133 = tpu.memref_slice %arg6[%dma_start3A_131, %dma_start3A_132] : memref<800x128xf32, #tpu.memory_space<vmem>> -> memref<128x128xf32, #tpu.memory_space<vmem>>
    %dma_start3A_134 = arith.constant 1056 : i32
    %dma_start3A_135 = tpu.memref_slice %arg5[%dma_start3A_134] : memref<1600xi32, #tpu.memory_space<vmem>> -> memref<128xi32, #tpu.memory_space<vmem>>
    %dma_start3A_136 = arith.constant 0 : i32
    %dma_start3A_137 = arith.constant 0 : i32
    %dma_start3A_138 = tpu.memref_slice %arg2[%dma_start3A_136, %dma_start3A_137] : memref<1000x128xf32, #tpu.memory_space<hbm>> -> memref<1000x128xf32, #tpu.memory_space<hbm>>
    tpu.enqueue_indirect_dma source(%dma_start3A_138 : memref<1000x128xf32, #tpu.memory_space<hbm>>) target(%dma_start3A_133 : memref<128x128xf32, #tpu.memory_space<vmem>>) offsets(%dma_start3A_135 : memref<128xi32, #tpu.memory_space<vmem>>) semaphore(%arg7 : memref<!tpu.dma_semaphore, #tpu.memory_space<semaphore_mem>>)
    %dma_start3A_139 = arith.constant 384 : i32
    %dma_start3A_140 = arith.constant 0 : i32
    %dma_start3A_141 = tpu.memref_slice %arg6[%dma_start3A_139, %dma_start3A_140] : memref<800x128xf32, #tpu.memory_space<vmem>> -> memref<128x128xf32, #tpu.memory_space<vmem>>
    %dma_start3A_142 = arith.constant 1184 : i32
    %dma_start3A_143 = tpu.memref_slice %arg5[%dma_start3A_142] : memref<1600xi32, #tpu.memory_space<vmem>> -> memref<128xi32, #tpu.memory_space<vmem>>
    %dma_start3A_144 = arith.constant 0 : i32
    %dma_start3A_145 = arith.constant 0 : i32
    %dma_start3A_146 = tpu.memref_slice %arg2[%dma_start3A_144, %dma_start3A_145] : memref<1000x128xf32, #tpu.memory_space<hbm>> -> memref<1000x128xf32, #tpu.memory_space<hbm>>
    tpu.enqueue_indirect_dma source(%dma_start3A_146 : memref<1000x128xf32, #tpu.memory_space<hbm>>) target(%dma_start3A_141 : memref<128x128xf32, #tpu.memory_space<vmem>>) offsets(%dma_start3A_143 : memref<128xi32, #tpu.memory_space<vmem>>) semaphore(%arg7 : memref<!tpu.dma_semaphore, #tpu.memory_space<semaphore_mem>>)
    %dma_start3A_147 = arith.constant 512 : i32
    %dma_start3A_148 = arith.constant 0 : i32
    %dma_start3A_149 = tpu.memref_slice %arg6[%dma_start3A_147, %dma_start3A_148] : memref<800x128xf32, #tpu.memory_space<vmem>> -> memref<128x128xf32, #tpu.memory_space<vmem>>
    %dma_start3A_150 = arith.constant 1312 : i32
    %dma_start3A_151 = tpu.memref_slice %arg5[%dma_start3A_150] : memref<1600xi32, #tpu.memory_space<vmem>> -> memref<128xi32, #tpu.memory_space<vmem>>
    %dma_start3A_152 = arith.constant 0 : i32
    %dma_start3A_153 = arith.constant 0 : i32
    %dma_start3A_154 = tpu.memref_slice %arg2[%dma_start3A_152, %dma_start3A_153] : memref<1000x128xf32, #tpu.memory_space<hbm>> -> memref<1000x128xf32, #tpu.memory_space<hbm>>
    tpu.enqueue_indirect_dma source(%dma_start3A_154 : memref<1000x128xf32, #tpu.memory_space<hbm>>) target(%dma_start3A_149 : memref<128x128xf32, #tpu.memory_space<vmem>>) offsets(%dma_start3A_151 : memref<128xi32, #tpu.memory_space<vmem>>) semaphore(%arg7 : memref<!tpu.dma_semaphore, #tpu.memory_space<semaphore_mem>>)
    %dma_start3A_155 = arith.constant 640 : i32
    %dma_start3A_156 = arith.constant 0 : i32
    %dma_start3A_157 = tpu.memref_slice %arg6[%dma_start3A_155, %dma_start3A_156] : memref<800x128xf32, #tpu.memory_space<vmem>> -> memref<128x128xf32, #tpu.memory_space<vmem>>
    %dma_start3A_158 = arith.constant 1440 : i32
    %dma_start3A_159 = tpu.memref_slice %arg5[%dma_start3A_158] : memref<1600xi32, #tpu.memory_space<vmem>> -> memref<128xi32, #tpu.memory_space<vmem>>
    %dma_start3A_160 = arith.constant 0 : i32
    %dma_start3A_161 = arith.constant 0 : i32
    %dma_start3A_162 = tpu.memref_slice %arg2[%dma_start3A_160, %dma_start3A_161] : memref<1000x128xf32, #tpu.memory_space<hbm>> -> memref<1000x128xf32, #tpu.memory_space<hbm>>
    tpu.enqueue_indirect_dma source(%dma_start3A_162 : memref<1000x128xf32, #tpu.memory_space<hbm>>) target(%dma_start3A_157 : memref<128x128xf32, #tpu.memory_space<vmem>>) offsets(%dma_start3A_159 : memref<128xi32, #tpu.memory_space<vmem>>) semaphore(%arg7 : memref<!tpu.dma_semaphore, #tpu.memory_space<semaphore_mem>>)
    %dma_start3A_163 = arith.constant 768 : i32
    %dma_start3A_164 = arith.constant 0 : i32
    %dma_start3A_165 = tpu.memref_slice %arg6[%dma_start3A_163, %dma_start3A_164] : memref<800x128xf32, #tpu.memory_space<vmem>> -> memref<32x128xf32, #tpu.memory_space<vmem>>
    %dma_start3A_166 = arith.constant 1568 : i32
    %dma_start3A_167 = tpu.memref_slice %arg5[%dma_start3A_166] : memref<1600xi32, #tpu.memory_space<vmem>> -> memref<32xi32, #tpu.memory_space<vmem>>
    %dma_start3A_168 = arith.constant 0 : i32
    %dma_start3A_169 = arith.constant 0 : i32
    %dma_start3A_170 = tpu.memref_slice %arg2[%dma_start3A_168, %dma_start3A_169] : memref<1000x128xf32, #tpu.memory_space<hbm>> -> memref<1000x128xf32, #tpu.memory_space<hbm>>
    tpu.enqueue_indirect_dma source(%dma_start3A_170 : memref<1000x128xf32, #tpu.memory_space<hbm>>) target(%dma_start3A_165 : memref<32x128xf32, #tpu.memory_space<vmem>>) offsets(%dma_start3A_167 : memref<32xi32, #tpu.memory_space<vmem>>) semaphore(%arg7 : memref<!tpu.dma_semaphore, #tpu.memory_space<semaphore_mem>>)
    %dma_wait3A_171 = arith.constant 0 : i32
    %dma_wait3A_172 = arith.constant 0 : i32
    %dma_wait3A_173 = tpu.memref_slice %arg6[%dma_wait3A_171, %dma_wait3A_172] : memref<800x128xf32, #tpu.memory_space<vmem>> -> memref<128x128xf32, #tpu.memory_space<vmem>>
    %dma_wait3A_174 = arith.constant 800 : i32
    %dma_wait3A_175 = tpu.memref_slice %arg5[%dma_wait3A_174] : memref<1600xi32, #tpu.memory_space<vmem>> -> memref<128xi32, #tpu.memory_space<vmem>>
    %dma_wait3A_176 = arith.constant 0 : i32
    %dma_wait3A_177 = arith.constant 0 : i32
    %dma_wait3A_178 = tpu.memref_slice %arg2[%dma_wait3A_176, %dma_wait3A_177] : memref<1000x128xf32, #tpu.memory_space<hbm>> -> memref<1000x128xf32, #tpu.memory_space<hbm>>
    tpu.wait_indirect_dma semaphore(%arg7 : memref<!tpu.dma_semaphore, #tpu.memory_space<semaphore_mem>>) src(%dma_wait3A_178 : memref<1000x128xf32, #tpu.memory_space<hbm>>) dst(%dma_wait3A_173 : memref<128x128xf32, #tpu.memory_space<vmem>>)
    %dma_wait3A_179 = arith.constant 128 : i32
    %dma_wait3A_180 = arith.constant 0 : i32
    %dma_wait3A_181 = tpu.memref_slice %arg6[%dma_wait3A_179, %dma_wait3A_180] : memref<800x128xf32, #tpu.memory_space<vmem>> -> memref<128x128xf32, #tpu.memory_space<vmem>>
    %dma_wait3A_182 = arith.constant 928 : i32
    %dma_wait3A_183 = tpu.memref_slice %arg5[%dma_wait3A_182] : memref<1600xi32, #tpu.memory_space<vmem>> -> memref<128xi32, #tpu.memory_space<vmem>>
    %dma_wait3A_184 = arith.constant 0 : i32
    %dma_wait3A_185 = arith.constant 0 : i32
    %dma_wait3A_186 = tpu.memref_slice %arg2[%dma_wait3A_184, %dma_wait3A_185] : memref<1000x128xf32, #tpu.memory_space<hbm>> -> memref<1000x128xf32, #tpu.memory_space<hbm>>
    tpu.wait_indirect_dma semaphore(%arg7 : memref<!tpu.dma_semaphore, #tpu.memory_space<semaphore_mem>>) src(%dma_wait3A_186 : memref<1000x128xf32, #tpu.memory_space<hbm>>) dst(%dma_wait3A_181 : memref<128x128xf32, #tpu.memory_space<vmem>>)
    %dma_wait3A_187 = arith.constant 256 : i32
    %dma_wait3A_188 = arith.constant 0 : i32
    %dma_wait3A_189 = tpu.memref_slice %arg6[%dma_wait3A_187, %dma_wait3A_188] : memref<800x128xf32, #tpu.memory_space<vmem>> -> memref<128x128xf32, #tpu.memory_space<vmem>>
    %dma_wait3A_190 = arith.constant 1056 : i32
    %dma_wait3A_191 = tpu.memref_slice %arg5[%dma_wait3A_190] : memref<1600xi32, #tpu.memory_space<vmem>> -> memref<128xi32, #tpu.memory_space<vmem>>
    %dma_wait3A_192 = arith.constant 0 : i32
    %dma_wait3A_193 = arith.constant 0 : i32
    %dma_wait3A_194 = tpu.memref_slice %arg2[%dma_wait3A_192, %dma_wait3A_193] : memref<1000x128xf32, #tpu.memory_space<hbm>> -> memref<1000x128xf32, #tpu.memory_space<hbm>>
    tpu.wait_indirect_dma semaphore(%arg7 : memref<!tpu.dma_semaphore, #tpu.memory_space<semaphore_mem>>) src(%dma_wait3A_194 : memref<1000x128xf32, #tpu.memory_space<hbm>>) dst(%dma_wait3A_189 : memref<128x128xf32, #tpu.memory_space<vmem>>)
    %dma_wait3A_195 = arith.constant 384 : i32
    %dma_wait3A_196 = arith.constant 0 : i32
    %dma_wait3A_197 = tpu.memref_slice %arg6[%dma_wait3A_195, %dma_wait3A_196] : memref<800x128xf32, #tpu.memory_space<vmem>> -> memref<128x128xf32, #tpu.memory_space<vmem>>
    %dma_wait3A_198 = arith.constant 1184 : i32
    %dma_wait3A_199 = tpu.memref_slice %arg5[%dma_wait3A_198] : memref<1600xi32, #tpu.memory_space<vmem>> -> memref<128xi32, #tpu.memory_space<vmem>>
    %dma_wait3A_200 = arith.constant 0 : i32
    %dma_wait3A_201 = arith.constant 0 : i32
    %dma_wait3A_202 = tpu.memref_slice %arg2[%dma_wait3A_200, %dma_wait3A_201] : memref<1000x128xf32, #tpu.memory_space<hbm>> -> memref<1000x128xf32, #tpu.memory_space<hbm>>
    tpu.wait_indirect_dma semaphore(%arg7 : memref<!tpu.dma_semaphore, #tpu.memory_space<semaphore_mem>>) src(%dma_wait3A_202 : memref<1000x128xf32, #tpu.memory_space<hbm>>) dst(%dma_wait3A_197 : memref<128x128xf32, #tpu.memory_space<vmem>>)
    %dma_wait3A_203 = arith.constant 512 : i32
    %dma_wait3A_204 = arith.constant 0 : i32
    %dma_wait3A_205 = tpu.memref_slice %arg6[%dma_wait3A_203, %dma_wait3A_204] : memref<800x128xf32, #tpu.memory_space<vmem>> -> memref<128x128xf32, #tpu.memory_space<vmem>>
    %dma_wait3A_206 = arith.constant 1312 : i32
    %dma_wait3A_207 = tpu.memref_slice %arg5[%dma_wait3A_206] : memref<1600xi32, #tpu.memory_space<vmem>> -> memref<128xi32, #tpu.memory_space<vmem>>
    %dma_wait3A_208 = arith.constant 0 : i32
    %dma_wait3A_209 = arith.constant 0 : i32
    %dma_wait3A_210 = tpu.memref_slice %arg2[%dma_wait3A_208, %dma_wait3A_209] : memref<1000x128xf32, #tpu.memory_space<hbm>> -> memref<1000x128xf32, #tpu.memory_space<hbm>>
    tpu.wait_indirect_dma semaphore(%arg7 : memref<!tpu.dma_semaphore, #tpu.memory_space<semaphore_mem>>) src(%dma_wait3A_210 : memref<1000x128xf32, #tpu.memory_space<hbm>>) dst(%dma_wait3A_205 : memref<128x128xf32, #tpu.memory_space<vmem>>)
    %dma_wait3A_211 = arith.constant 640 : i32
    %dma_wait3A_212 = arith.constant 0 : i32
    %dma_wait3A_213 = tpu.memref_slice %arg6[%dma_wait3A_211, %dma_wait3A_212] : memref<800x128xf32, #tpu.memory_space<vmem>> -> memref<128x128xf32, #tpu.memory_space<vmem>>
    %dma_wait3A_214 = arith.constant 1440 : i32
    %dma_wait3A_215 = tpu.memref_slice %arg5[%dma_wait3A_214] : memref<1600xi32, #tpu.memory_space<vmem>> -> memref<128xi32, #tpu.memory_space<vmem>>
    %dma_wait3A_216 = arith.constant 0 : i32
    %dma_wait3A_217 = arith.constant 0 : i32
    %dma_wait3A_218 = tpu.memref_slice %arg2[%dma_wait3A_216, %dma_wait3A_217] : memref<1000x128xf32, #tpu.memory_space<hbm>> -> memref<1000x128xf32, #tpu.memory_space<hbm>>
    tpu.wait_indirect_dma semaphore(%arg7 : memref<!tpu.dma_semaphore, #tpu.memory_space<semaphore_mem>>) src(%dma_wait3A_218 : memref<1000x128xf32, #tpu.memory_space<hbm>>) dst(%dma_wait3A_213 : memref<128x128xf32, #tpu.memory_space<vmem>>)
    %dma_wait3A_219 = arith.constant 768 : i32
    %dma_wait3A_220 = arith.constant 0 : i32
    %dma_wait3A_221 = tpu.memref_slice %arg6[%dma_wait3A_219, %dma_wait3A_220] : memref<800x128xf32, #tpu.memory_space<vmem>> -> memref<32x128xf32, #tpu.memory_space<vmem>>
    %dma_wait3A_222 = arith.constant 1568 : i32
    %dma_wait3A_223 = tpu.memref_slice %arg5[%dma_wait3A_222] : memref<1600xi32, #tpu.memory_space<vmem>> -> memref<32xi32, #tpu.memory_space<vmem>>
    %dma_wait3A_224 = arith.constant 0 : i32
    %dma_wait3A_225 = arith.constant 0 : i32
    %dma_wait3A_226 = tpu.memref_slice %arg2[%dma_wait3A_224, %dma_wait3A_225] : memref<1000x128xf32, #tpu.memory_space<hbm>> -> memref<1000x128xf32, #tpu.memory_space<hbm>>
    tpu.wait_indirect_dma semaphore(%arg7 : memref<!tpu.dma_semaphore, #tpu.memory_space<semaphore_mem>>) src(%dma_wait3A_226 : memref<1000x128xf32, #tpu.memory_space<hbm>>) dst(%dma_wait3A_221 : memref<32x128xf32, #tpu.memory_space<vmem>>)
    %add3A_227 = arith.constant 800 : i32
    %add3A_228 = arith.addi %mul3A_2, %add3A_227 : i32
    "tpu.region"() ({
      %run_scoped3A = tpu.sem_alloc : memref<!tpu.dma_semaphore, #tpu.memory_space<semaphore_mem>>
      %dma_start3A_229 = arith.constant 0 : i32
      %dma_start3A_230 = tpu.memref_slice %arg4[%add3A_228, %dma_start3A_229] : memref<51200x128xf32, #tpu.memory_space<hbm>> -> memref<800x128xf32, #tpu.memory_space<hbm>>
      %dma_start3A_231 = arith.constant 0 : i32
      %dma_start3A_232 = tpu.memref_slice %arg4[%add3A_228, %dma_start3A_231] : memref<51200x128xf32, #tpu.memory_space<hbm>> -> memref<800x128xf32, #tpu.memory_space<hbm>>
      tpu.enqueue_dma source(%arg6 : memref<800x128xf32, #tpu.memory_space<vmem>>) target(%dma_start3A_232 : memref<800x128xf32, #tpu.memory_space<hbm>>) target_semaphore(%run_scoped3A : memref<!tpu.dma_semaphore, #tpu.memory_space<semaphore_mem>>)
      %dma_wait3A_233 = arith.constant 0 : i32
      %dma_wait3A_234 = tpu.memref_slice %arg4[%add3A_228, %dma_wait3A_233] : memref<51200x128xf32, #tpu.memory_space<hbm>> -> memref<800x128xf32, #tpu.memory_space<hbm>>
      %dma_wait3A_235 = arith.constant 0 : i32
      %dma_wait3A_236 = tpu.memref_slice %arg4[%add3A_228, %dma_wait3A_235] : memref<51200x128xf32, #tpu.memory_space<hbm>> -> memref<800x128xf32, #tpu.memory_space<hbm>>
      tpu.wait_dma2 semaphore(%run_scoped3A : memref<!tpu.dma_semaphore, #tpu.memory_space<semaphore_mem>>) src(%arg6 : memref<800x128xf32, #tpu.memory_space<vmem>>) dst(%dma_wait3A_236 : memref<800x128xf32, #tpu.memory_space<hbm>>)
      tpu.yield
    }) : () -> ()
    return
  }
}

module attributes {stable_mosaic.version = 14 : i64} {
  func.func @_head_body(%arg0: i32, %arg1: memref<3200x128xf32, #tpu.memory_space<vmem>>, %arg2: memref<50x128xf32, #tpu.memory_space<vmem>>, %arg3: memref<128x1000xf32, #tpu.memory_space<vmem>>, %arg4: memref<1x1000xf32, #tpu.memory_space<vmem>>, %arg5: memref<64x50x1000xf32, #tpu.memory_space<vmem>>) attributes {dimension_semantics = [#tpu.dimension_semantics<arbitrary>], iteration_bounds = array<i64: 16>, scalar_prefetch = 0 : i64, scratch_operands = 0 : i64, tpu.core_type = #tpu.core_type<tc>, window_params = [{transform_indices = @transform_0, window_bounds = array<i64: 3200, 128>}, {pipeline_mode = #tpu.pipeline_mode<synchronous>, transform_indices = @transform_1, window_bounds = array<i64: 50, 128>}, {pipeline_mode = #tpu.pipeline_mode<synchronous>, transform_indices = @transform_2, window_bounds = array<i64: 128, 1000>}, {pipeline_mode = #tpu.pipeline_mode<synchronous>, transform_indices = @transform_3, window_bounds = array<i64: 1, 1000>}, {transform_indices = @transform_4, window_bounds = array<i64: 64, 50, 1000>}]} {
    %get3A = arith.constant 0 : index
    %get3A_0 = arith.constant 0 : index
    %get3A_1 = vector.load %arg3[%get3A, %get3A_0] : memref<128x1000xf32, #tpu.memory_space<vmem>>, vector<128x1000xf32>
    %get3A_2 = arith.constant 0 : index
    %get3A_3 = arith.constant 0 : index
    %get3A_4 = vector.load %arg4[%get3A_2, %get3A_3] : memref<1x1000xf32, #tpu.memory_space<vmem>>, vector<1x1000xf32>
    %get3A_5 = arith.constant 0 : index
    %get3A_6 = arith.constant 0 : index
    %get3A_7 = vector.load %arg2[%get3A_5, %get3A_6] : memref<50x128xf32, #tpu.memory_space<vmem>>, vector<50x128xf32>
    %get3A_8 = arith.constant 0 : index
    %get3A_9 = arith.constant 0 : index
    %get3A_10 = vector.load %arg1[%get3A_8, %get3A_9] : memref<3200x128xf32, #tpu.memory_space<vmem>>, vector<50x128xf32>
    %add3A = arith.addf %get3A_10, %get3A_7 : vector<50x128xf32>
    %dot_general3A = arith.constant dense<0.000000e+00> : vector<50x1000xf32>
    %dot_general3A_11 = tpu.matmul %add3A, %get3A_1, %dot_general3A {dimension_numbers = #tpu.dot_dimension_numbers<[1], [0], [0], [1], [0, 0, 1, 1], [], []>, transpose_lhs_hint = false} : vector<50x128xf32>, vector<128x1000xf32>, vector<50x1000xf32> -> vector<50x1000xf32>
    %add3A_12 = vector.broadcast %get3A_4 : vector<1x1000xf32> to vector<50x1000xf32>
    %add3A_13 = arith.addf %dot_general3A_11, %add3A_12 : vector<50x1000xf32>
    %swap3A = arith.constant 0 : index
    %swap3A_14 = arith.constant 0 : index
    %swap3A_15 = arith.constant 0 : index
    %swap3A_16 = vector.load %arg5[%swap3A, %swap3A_14, %swap3A_15] : memref<64x50x1000xf32, #tpu.memory_space<vmem>>, vector<1x50x1000xf32>
    %swap3A_17 = vector.shape_cast %swap3A_16 : vector<1x50x1000xf32> to vector<50x1000xf32>
    %swap3A_18 = vector.shape_cast %add3A_13 : vector<50x1000xf32> to vector<1x50x1000xf32>
    tpu.vector_store %arg5[%swap3A, %swap3A_14, %swap3A_15], %swap3A_18 {strides = array<i32>} : memref<64x50x1000xf32, #tpu.memory_space<vmem>>, vector<1x50x1000xf32>,
    %get3A_19 = arith.constant 50 : index
    %get3A_20 = arith.constant 0 : index
    %get3A_21 = vector.load %arg1[%get3A_19, %get3A_20] : memref<3200x128xf32, #tpu.memory_space<vmem>>, vector<50x128xf32>
    %add3A_22 = arith.addf %get3A_21, %get3A_7 : vector<50x128xf32>
    %dot_general3A_23 = arith.constant dense<0.000000e+00> : vector<50x1000xf32>
    %dot_general3A_24 = tpu.matmul %add3A_22, %get3A_1, %dot_general3A_23 {dimension_numbers = #tpu.dot_dimension_numbers<[1], [0], [0], [1], [0, 0, 1, 1], [], []>, transpose_lhs_hint = false} : vector<50x128xf32>, vector<128x1000xf32>, vector<50x1000xf32> -> vector<50x1000xf32>
    %add3A_25 = vector.broadcast %get3A_4 : vector<1x1000xf32> to vector<50x1000xf32>
    %add3A_26 = arith.addf %dot_general3A_24, %add3A_25 : vector<50x1000xf32>
    %swap3A_27 = arith.constant 1 : index
    %swap3A_28 = arith.constant 0 : index
    %swap3A_29 = arith.constant 0 : index
    %swap3A_30 = vector.load %arg5[%swap3A_27, %swap3A_28, %swap3A_29] : memref<64x50x1000xf32, #tpu.memory_space<vmem>>, vector<1x50x1000xf32>
    %swap3A_31 = vector.shape_cast %swap3A_30 : vector<1x50x1000xf32> to vector<50x1000xf32>
    %swap3A_32 = vector.shape_cast %add3A_26 : vector<50x1000xf32> to vector<1x50x1000xf32>
    tpu.vector_store %arg5[%swap3A_27, %swap3A_28, %swap3A_29], %swap3A_32 {strides = array<i32>} : memref<64x50x1000xf32, #tpu.memory_space<vmem>>, vector<1x50x1000xf32>,
    %get3A_33 = arith.constant 100 : index
    %get3A_34 = arith.constant 0 : index
    %get3A_35 = vector.load %arg1[%get3A_33, %get3A_34] : memref<3200x128xf32, #tpu.memory_space<vmem>>, vector<50x128xf32>
    %add3A_36 = arith.addf %get3A_35, %get3A_7 : vector<50x128xf32>
    %dot_general3A_37 = arith.constant dense<0.000000e+00> : vector<50x1000xf32>
    %dot_general3A_38 = tpu.matmul %add3A_36, %get3A_1, %dot_general3A_37 {dimension_numbers = #tpu.dot_dimension_numbers<[1], [0], [0], [1], [0, 0, 1, 1], [], []>, transpose_lhs_hint = false} : vector<50x128xf32>, vector<128x1000xf32>, vector<50x1000xf32> -> vector<50x1000xf32>
    %add3A_39 = vector.broadcast %get3A_4 : vector<1x1000xf32> to vector<50x1000xf32>
    %add3A_40 = arith.addf %dot_general3A_38, %add3A_39 : vector<50x1000xf32>
    %swap3A_41 = arith.constant 2 : index
    %swap3A_42 = arith.constant 0 : index
    %swap3A_43 = arith.constant 0 : index
    %swap3A_44 = vector.load %arg5[%swap3A_41, %swap3A_42, %swap3A_43] : memref<64x50x1000xf32, #tpu.memory_space<vmem>>, vector<1x50x1000xf32>
    %swap3A_45 = vector.shape_cast %swap3A_44 : vector<1x50x1000xf32> to vector<50x1000xf32>
    %swap3A_46 = vector.shape_cast %add3A_40 : vector<50x1000xf32> to vector<1x50x1000xf32>
    tpu.vector_store %arg5[%swap3A_41, %swap3A_42, %swap3A_43], %swap3A_46 {strides = array<i32>} : memref<64x50x1000xf32, #tpu.memory_space<vmem>>, vector<1x50x1000xf32>,
    %get3A_47 = arith.constant 150 : index
    %get3A_48 = arith.constant 0 : index
    %get3A_49 = vector.load %arg1[%get3A_47, %get3A_48] : memref<3200x128xf32, #tpu.memory_space<vmem>>, vector<50x128xf32>
    %add3A_50 = arith.addf %get3A_49, %get3A_7 : vector<50x128xf32>
    %dot_general3A_51 = arith.constant dense<0.000000e+00> : vector<50x1000xf32>
    %dot_general3A_52 = tpu.matmul %add3A_50, %get3A_1, %dot_general3A_51 {dimension_numbers = #tpu.dot_dimension_numbers<[1], [0], [0], [1], [0, 0, 1, 1], [], []>, transpose_lhs_hint = false} : vector<50x128xf32>, vector<128x1000xf32>, vector<50x1000xf32> -> vector<50x1000xf32>
    %add3A_53 = vector.broadcast %get3A_4 : vector<1x1000xf32> to vector<50x1000xf32>
    %add3A_54 = arith.addf %dot_general3A_52, %add3A_53 : vector<50x1000xf32>
    %swap3A_55 = arith.constant 3 : index
    %swap3A_56 = arith.constant 0 : index
    %swap3A_57 = arith.constant 0 : index
    %swap3A_58 = vector.load %arg5[%swap3A_55, %swap3A_56, %swap3A_57] : memref<64x50x1000xf32, #tpu.memory_space<vmem>>, vector<1x50x1000xf32>
    %swap3A_59 = vector.shape_cast %swap3A_58 : vector<1x50x1000xf32> to vector<50x1000xf32>
    %swap3A_60 = vector.shape_cast %add3A_54 : vector<50x1000xf32> to vector<1x50x1000xf32>
    tpu.vector_store %arg5[%swap3A_55, %swap3A_56, %swap3A_57], %swap3A_60 {strides = array<i32>} : memref<64x50x1000xf32, #tpu.memory_space<vmem>>, vector<1x50x1000xf32>,
    %get3A_61 = arith.constant 200 : index
    %get3A_62 = arith.constant 0 : index
    %get3A_63 = vector.load %arg1[%get3A_61, %get3A_62] : memref<3200x128xf32, #tpu.memory_space<vmem>>, vector<50x128xf32>
    %add3A_64 = arith.addf %get3A_63, %get3A_7 : vector<50x128xf32>
    %dot_general3A_65 = arith.constant dense<0.000000e+00> : vector<50x1000xf32>
    %dot_general3A_66 = tpu.matmul %add3A_64, %get3A_1, %dot_general3A_65 {dimension_numbers = #tpu.dot_dimension_numbers<[1], [0], [0], [1], [0, 0, 1, 1], [], []>, transpose_lhs_hint = false} : vector<50x128xf32>, vector<128x1000xf32>, vector<50x1000xf32> -> vector<50x1000xf32>
    %add3A_67 = vector.broadcast %get3A_4 : vector<1x1000xf32> to vector<50x1000xf32>
    %add3A_68 = arith.addf %dot_general3A_66, %add3A_67 : vector<50x1000xf32>
    %swap3A_69 = arith.constant 4 : index
    %swap3A_70 = arith.constant 0 : index
    %swap3A_71 = arith.constant 0 : index
    %swap3A_72 = vector.load %arg5[%swap3A_69, %swap3A_70, %swap3A_71] : memref<64x50x1000xf32, #tpu.memory_space<vmem>>, vector<1x50x1000xf32>
    %swap3A_73 = vector.shape_cast %swap3A_72 : vector<1x50x1000xf32> to vector<50x1000xf32>
    %swap3A_74 = vector.shape_cast %add3A_68 : vector<50x1000xf32> to vector<1x50x1000xf32>
    tpu.vector_store %arg5[%swap3A_69, %swap3A_70, %swap3A_71], %swap3A_74 {strides = array<i32>} : memref<64x50x1000xf32, #tpu.memory_space<vmem>>, vector<1x50x1000xf32>,
    %get3A_75 = arith.constant 250 : index
    %get3A_76 = arith.constant 0 : index
    %get3A_77 = vector.load %arg1[%get3A_75, %get3A_76] : memref<3200x128xf32, #tpu.memory_space<vmem>>, vector<50x128xf32>
    %add3A_78 = arith.addf %get3A_77, %get3A_7 : vector<50x128xf32>
    %dot_general3A_79 = arith.constant dense<0.000000e+00> : vector<50x1000xf32>
    %dot_general3A_80 = tpu.matmul %add3A_78, %get3A_1, %dot_general3A_79 {dimension_numbers = #tpu.dot_dimension_numbers<[1], [0], [0], [1], [0, 0, 1, 1], [], []>, transpose_lhs_hint = false} : vector<50x128xf32>, vector<128x1000xf32>, vector<50x1000xf32> -> vector<50x1000xf32>
    %add3A_81 = vector.broadcast %get3A_4 : vector<1x1000xf32> to vector<50x1000xf32>
    %add3A_82 = arith.addf %dot_general3A_80, %add3A_81 : vector<50x1000xf32>
    %swap3A_83 = arith.constant 5 : index
    %swap3A_84 = arith.constant 0 : index
    %swap3A_85 = arith.constant 0 : index
    %swap3A_86 = vector.load %arg5[%swap3A_83, %swap3A_84, %swap3A_85] : memref<64x50x1000xf32, #tpu.memory_space<vmem>>, vector<1x50x1000xf32>
    %swap3A_87 = vector.shape_cast %swap3A_86 : vector<1x50x1000xf32> to vector<50x1000xf32>
    %swap3A_88 = vector.shape_cast %add3A_82 : vector<50x1000xf32> to vector<1x50x1000xf32>
    tpu.vector_store %arg5[%swap3A_83, %swap3A_84, %swap3A_85], %swap3A_88 {strides = array<i32>} : memref<64x50x1000xf32, #tpu.memory_space<vmem>>, vector<1x50x1000xf32>,
    %get3A_89 = arith.constant 300 : index
    %get3A_90 = arith.constant 0 : index
    %get3A_91 = vector.load %arg1[%get3A_89, %get3A_90] : memref<3200x128xf32, #tpu.memory_space<vmem>>, vector<50x128xf32>
    %add3A_92 = arith.addf %get3A_91, %get3A_7 : vector<50x128xf32>
    %dot_general3A_93 = arith.constant dense<0.000000e+00> : vector<50x1000xf32>
    %dot_general3A_94 = tpu.matmul %add3A_92, %get3A_1, %dot_general3A_93 {dimension_numbers = #tpu.dot_dimension_numbers<[1], [0], [0], [1], [0, 0, 1, 1], [], []>, transpose_lhs_hint = false} : vector<50x128xf32>, vector<128x1000xf32>, vector<50x1000xf32> -> vector<50x1000xf32>
    %add3A_95 = vector.broadcast %get3A_4 : vector<1x1000xf32> to vector<50x1000xf32>
    %add3A_96 = arith.addf %dot_general3A_94, %add3A_95 : vector<50x1000xf32>
    %swap3A_97 = arith.constant 6 : index
    %swap3A_98 = arith.constant 0 : index
    %swap3A_99 = arith.constant 0 : index
    %swap3A_100 = vector.load %arg5[%swap3A_97, %swap3A_98, %swap3A_99] : memref<64x50x1000xf32, #tpu.memory_space<vmem>>, vector<1x50x1000xf32>
    %swap3A_101 = vector.shape_cast %swap3A_100 : vector<1x50x1000xf32> to vector<50x1000xf32>
    %swap3A_102 = vector.shape_cast %add3A_96 : vector<50x1000xf32> to vector<1x50x1000xf32>
    tpu.vector_store %arg5[%swap3A_97, %swap3A_98, %swap3A_99], %swap3A_102 {strides = array<i32>} : memref<64x50x1000xf32, #tpu.memory_space<vmem>>, vector<1x50x1000xf32>,
    %get3A_103 = arith.constant 350 : index
    %get3A_104 = arith.constant 0 : index
    %get3A_105 = vector.load %arg1[%get3A_103, %get3A_104] : memref<3200x128xf32, #tpu.memory_space<vmem>>, vector<50x128xf32>
    %add3A_106 = arith.addf %get3A_105, %get3A_7 : vector<50x128xf32>
    %dot_general3A_107 = arith.constant dense<0.000000e+00> : vector<50x1000xf32>
    %dot_general3A_108 = tpu.matmul %add3A_106, %get3A_1, %dot_general3A_107 {dimension_numbers = #tpu.dot_dimension_numbers<[1], [0], [0], [1], [0, 0, 1, 1], [], []>, transpose_lhs_hint = false} : vector<50x128xf32>, vector<128x1000xf32>, vector<50x1000xf32> -> vector<50x1000xf32>
    %add3A_109 = vector.broadcast %get3A_4 : vector<1x1000xf32> to vector<50x1000xf32>
    %add3A_110 = arith.addf %dot_general3A_108, %add3A_109 : vector<50x1000xf32>
    %swap3A_111 = arith.constant 7 : index
    %swap3A_112 = arith.constant 0 : index
    %swap3A_113 = arith.constant 0 : index
    %swap3A_114 = vector.load %arg5[%swap3A_111, %swap3A_112, %swap3A_113] : memref<64x50x1000xf32, #tpu.memory_space<vmem>>, vector<1x50x1000xf32>
    %swap3A_115 = vector.shape_cast %swap3A_114 : vector<1x50x1000xf32> to vector<50x1000xf32>
    %swap3A_116 = vector.shape_cast %add3A_110 : vector<50x1000xf32> to vector<1x50x1000xf32>
    tpu.vector_store %arg5[%swap3A_111, %swap3A_112, %swap3A_113], %swap3A_116 {strides = array<i32>} : memref<64x50x1000xf32, #tpu.memory_space<vmem>>, vector<1x50x1000xf32>,
    %get3A_117 = arith.constant 400 : index
    %get3A_118 = arith.constant 0 : index
    %get3A_119 = vector.load %arg1[%get3A_117, %get3A_118] : memref<3200x128xf32, #tpu.memory_space<vmem>>, vector<50x128xf32>
    %add3A_120 = arith.addf %get3A_119, %get3A_7 : vector<50x128xf32>
    %dot_general3A_121 = arith.constant dense<0.000000e+00> : vector<50x1000xf32>
    %dot_general3A_122 = tpu.matmul %add3A_120, %get3A_1, %dot_general3A_121 {dimension_numbers = #tpu.dot_dimension_numbers<[1], [0], [0], [1], [0, 0, 1, 1], [], []>, transpose_lhs_hint = false} : vector<50x128xf32>, vector<128x1000xf32>, vector<50x1000xf32> -> vector<50x1000xf32>
    %add3A_123 = vector.broadcast %get3A_4 : vector<1x1000xf32> to vector<50x1000xf32>
    %add3A_124 = arith.addf %dot_general3A_122, %add3A_123 : vector<50x1000xf32>
    %swap3A_125 = arith.constant 8 : index
    %swap3A_126 = arith.constant 0 : index
    %swap3A_127 = arith.constant 0 : index
    %swap3A_128 = vector.load %arg5[%swap3A_125, %swap3A_126, %swap3A_127] : memref<64x50x1000xf32, #tpu.memory_space<vmem>>, vector<1x50x1000xf32>
    %swap3A_129 = vector.shape_cast %swap3A_128 : vector<1x50x1000xf32> to vector<50x1000xf32>
    %swap3A_130 = vector.shape_cast %add3A_124 : vector<50x1000xf32> to vector<1x50x1000xf32>
    tpu.vector_store %arg5[%swap3A_125, %swap3A_126, %swap3A_127], %swap3A_130 {strides = array<i32>} : memref<64x50x1000xf32, #tpu.memory_space<vmem>>, vector<1x50x1000xf32>,
    %get3A_131 = arith.constant 450 : index
    %get3A_132 = arith.constant 0 : index
    %get3A_133 = vector.load %arg1[%get3A_131, %get3A_132] : memref<3200x128xf32, #tpu.memory_space<vmem>>, vector<50x128xf32>
    %add3A_134 = arith.addf %get3A_133, %get3A_7 : vector<50x128xf32>
    %dot_general3A_135 = arith.constant dense<0.000000e+00> : vector<50x1000xf32>
    %dot_general3A_136 = tpu.matmul %add3A_134, %get3A_1, %dot_general3A_135 {dimension_numbers = #tpu.dot_dimension_numbers<[1], [0], [0], [1], [0, 0, 1, 1], [], []>, transpose_lhs_hint = false} : vector<50x128xf32>, vector<128x1000xf32>, vector<50x1000xf32> -> vector<50x1000xf32>
    %add3A_137 = vector.broadcast %get3A_4 : vector<1x1000xf32> to vector<50x1000xf32>
    %add3A_138 = arith.addf %dot_general3A_136, %add3A_137 : vector<50x1000xf32>
    %swap3A_139 = arith.constant 9 : index
    %swap3A_140 = arith.constant 0 : index
    %swap3A_141 = arith.constant 0 : index
    %swap3A_142 = vector.load %arg5[%swap3A_139, %swap3A_140, %swap3A_141] : memref<64x50x1000xf32, #tpu.memory_space<vmem>>, vector<1x50x1000xf32>
    %swap3A_143 = vector.shape_cast %swap3A_142 : vector<1x50x1000xf32> to vector<50x1000xf32>
    %swap3A_144 = vector.shape_cast %add3A_138 : vector<50x1000xf32> to vector<1x50x1000xf32>
    tpu.vector_store %arg5[%swap3A_139, %swap3A_140, %swap3A_141], %swap3A_144 {strides = array<i32>} : memref<64x50x1000xf32, #tpu.memory_space<vmem>>, vector<1x50x1000xf32>,
    %get3A_145 = arith.constant 500 : index
    %get3A_146 = arith.constant 0 : index
    %get3A_147 = vector.load %arg1[%get3A_145, %get3A_146] : memref<3200x128xf32, #tpu.memory_space<vmem>>, vector<50x128xf32>
    %add3A_148 = arith.addf %get3A_147, %get3A_7 : vector<50x128xf32>
    %dot_general3A_149 = arith.constant dense<0.000000e+00> : vector<50x1000xf32>
    %dot_general3A_150 = tpu.matmul %add3A_148, %get3A_1, %dot_general3A_149 {dimension_numbers = #tpu.dot_dimension_numbers<[1], [0], [0], [1], [0, 0, 1, 1], [], []>, transpose_lhs_hint = false} : vector<50x128xf32>, vector<128x1000xf32>, vector<50x1000xf32> -> vector<50x1000xf32>
    %add3A_151 = vector.broadcast %get3A_4 : vector<1x1000xf32> to vector<50x1000xf32>
    %add3A_152 = arith.addf %dot_general3A_150, %add3A_151 : vector<50x1000xf32>
    %swap3A_153 = arith.constant 10 : index
    %swap3A_154 = arith.constant 0 : index
    %swap3A_155 = arith.constant 0 : index
    %swap3A_156 = vector.load %arg5[%swap3A_153, %swap3A_154, %swap3A_155] : memref<64x50x1000xf32, #tpu.memory_space<vmem>>, vector<1x50x1000xf32>
    %swap3A_157 = vector.shape_cast %swap3A_156 : vector<1x50x1000xf32> to vector<50x1000xf32>
    %swap3A_158 = vector.shape_cast %add3A_152 : vector<50x1000xf32> to vector<1x50x1000xf32>
    tpu.vector_store %arg5[%swap3A_153, %swap3A_154, %swap3A_155], %swap3A_158 {strides = array<i32>} : memref<64x50x1000xf32, #tpu.memory_space<vmem>>, vector<1x50x1000xf32>,
    %get3A_159 = arith.constant 550 : index
    %get3A_160 = arith.constant 0 : index
    %get3A_161 = vector.load %arg1[%get3A_159, %get3A_160] : memref<3200x128xf32, #tpu.memory_space<vmem>>, vector<50x128xf32>
    %add3A_162 = arith.addf %get3A_161, %get3A_7 : vector<50x128xf32>
    %dot_general3A_163 = arith.constant dense<0.000000e+00> : vector<50x1000xf32>
    %dot_general3A_164 = tpu.matmul %add3A_162, %get3A_1, %dot_general3A_163 {dimension_numbers = #tpu.dot_dimension_numbers<[1], [0], [0], [1], [0, 0, 1, 1], [], []>, transpose_lhs_hint = false} : vector<50x128xf32>, vector<128x1000xf32>, vector<50x1000xf32> -> vector<50x1000xf32>
    %add3A_165 = vector.broadcast %get3A_4 : vector<1x1000xf32> to vector<50x1000xf32>
    %add3A_166 = arith.addf %dot_general3A_164, %add3A_165 : vector<50x1000xf32>
    %swap3A_167 = arith.constant 11 : index
    %swap3A_168 = arith.constant 0 : index
    %swap3A_169 = arith.constant 0 : index
    %swap3A_170 = vector.load %arg5[%swap3A_167, %swap3A_168, %swap3A_169] : memref<64x50x1000xf32, #tpu.memory_space<vmem>>, vector<1x50x1000xf32>
    %swap3A_171 = vector.shape_cast %swap3A_170 : vector<1x50x1000xf32> to vector<50x1000xf32>
    %swap3A_172 = vector.shape_cast %add3A_166 : vector<50x1000xf32> to vector<1x50x1000xf32>
    tpu.vector_store %arg5[%swap3A_167, %swap3A_168, %swap3A_169], %swap3A_172 {strides = array<i32>} : memref<64x50x1000xf32, #tpu.memory_space<vmem>>, vector<1x50x1000xf32>,
    %get3A_173 = arith.constant 600 : index
    %get3A_174 = arith.constant 0 : index
    %get3A_175 = vector.load %arg1[%get3A_173, %get3A_174] : memref<3200x128xf32, #tpu.memory_space<vmem>>, vector<50x128xf32>
    %add3A_176 = arith.addf %get3A_175, %get3A_7 : vector<50x128xf32>
    %dot_general3A_177 = arith.constant dense<0.000000e+00> : vector<50x1000xf32>
    %dot_general3A_178 = tpu.matmul %add3A_176, %get3A_1, %dot_general3A_177 {dimension_numbers = #tpu.dot_dimension_numbers<[1], [0], [0], [1], [0, 0, 1, 1], [], []>, transpose_lhs_hint = false} : vector<50x128xf32>, vector<128x1000xf32>, vector<50x1000xf32> -> vector<50x1000xf32>
    %add3A_179 = vector.broadcast %get3A_4 : vector<1x1000xf32> to vector<50x1000xf32>
    %add3A_180 = arith.addf %dot_general3A_178, %add3A_179 : vector<50x1000xf32>
    %swap3A_181 = arith.constant 12 : index
    %swap3A_182 = arith.constant 0 : index
    %swap3A_183 = arith.constant 0 : index
    %swap3A_184 = vector.load %arg5[%swap3A_181, %swap3A_182, %swap3A_183] : memref<64x50x1000xf32, #tpu.memory_space<vmem>>, vector<1x50x1000xf32>
    %swap3A_185 = vector.shape_cast %swap3A_184 : vector<1x50x1000xf32> to vector<50x1000xf32>
    %swap3A_186 = vector.shape_cast %add3A_180 : vector<50x1000xf32> to vector<1x50x1000xf32>
    tpu.vector_store %arg5[%swap3A_181, %swap3A_182, %swap3A_183], %swap3A_186 {strides = array<i32>} : memref<64x50x1000xf32, #tpu.memory_space<vmem>>, vector<1x50x1000xf32>,
    %get3A_187 = arith.constant 650 : index
    %get3A_188 = arith.constant 0 : index
    %get3A_189 = vector.load %arg1[%get3A_187, %get3A_188] : memref<3200x128xf32, #tpu.memory_space<vmem>>, vector<50x128xf32>
    %add3A_190 = arith.addf %get3A_189, %get3A_7 : vector<50x128xf32>
    %dot_general3A_191 = arith.constant dense<0.000000e+00> : vector<50x1000xf32>
    %dot_general3A_192 = tpu.matmul %add3A_190, %get3A_1, %dot_general3A_191 {dimension_numbers = #tpu.dot_dimension_numbers<[1], [0], [0], [1], [0, 0, 1, 1], [], []>, transpose_lhs_hint = false} : vector<50x128xf32>, vector<128x1000xf32>, vector<50x1000xf32> -> vector<50x1000xf32>
    %add3A_193 = vector.broadcast %get3A_4 : vector<1x1000xf32> to vector<50x1000xf32>
    %add3A_194 = arith.addf %dot_general3A_192, %add3A_193 : vector<50x1000xf32>
    %swap3A_195 = arith.constant 13 : index
    %swap3A_196 = arith.constant 0 : index
    %swap3A_197 = arith.constant 0 : index
    %swap3A_198 = vector.load %arg5[%swap3A_195, %swap3A_196, %swap3A_197] : memref<64x50x1000xf32, #tpu.memory_space<vmem>>, vector<1x50x1000xf32>
    %swap3A_199 = vector.shape_cast %swap3A_198 : vector<1x50x1000xf32> to vector<50x1000xf32>
    %swap3A_200 = vector.shape_cast %add3A_194 : vector<50x1000xf32> to vector<1x50x1000xf32>
    tpu.vector_store %arg5[%swap3A_195, %swap3A_196, %swap3A_197], %swap3A_200 {strides = array<i32>} : memref<64x50x1000xf32, #tpu.memory_space<vmem>>, vector<1x50x1000xf32>,
    %get3A_201 = arith.constant 700 : index
    %get3A_202 = arith.constant 0 : index
    %get3A_203 = vector.load %arg1[%get3A_201, %get3A_202] : memref<3200x128xf32, #tpu.memory_space<vmem>>, vector<50x128xf32>
    %add3A_204 = arith.addf %get3A_203, %get3A_7 : vector<50x128xf32>
    %dot_general3A_205 = arith.constant dense<0.000000e+00> : vector<50x1000xf32>
    %dot_general3A_206 = tpu.matmul %add3A_204, %get3A_1, %dot_general3A_205 {dimension_numbers = #tpu.dot_dimension_numbers<[1], [0], [0], [1], [0, 0, 1, 1], [], []>, transpose_lhs_hint = false} : vector<50x128xf32>, vector<128x1000xf32>, vector<50x1000xf32> -> vector<50x1000xf32>
    %add3A_207 = vector.broadcast %get3A_4 : vector<1x1000xf32> to vector<50x1000xf32>
    %add3A_208 = arith.addf %dot_general3A_206, %add3A_207 : vector<50x1000xf32>
    %swap3A_209 = arith.constant 14 : index
    %swap3A_210 = arith.constant 0 : index
    %swap3A_211 = arith.constant 0 : index
    %swap3A_212 = vector.load %arg5[%swap3A_209, %swap3A_210, %swap3A_211] : memref<64x50x1000xf32, #tpu.memory_space<vmem>>, vector<1x50x1000xf32>
    %swap3A_213 = vector.shape_cast %swap3A_212 : vector<1x50x1000xf32> to vector<50x1000xf32>
    %swap3A_214 = vector.shape_cast %add3A_208 : vector<50x1000xf32> to vector<1x50x1000xf32>
    tpu.vector_store %arg5[%swap3A_209, %swap3A_210, %swap3A_211], %swap3A_214 {strides = array<i32>} : memref<64x50x1000xf32, #tpu.memory_space<vmem>>, vector<1x50x1000xf32>,
    %get3A_215 = arith.constant 750 : index
    %get3A_216 = arith.constant 0 : index
    %get3A_217 = vector.load %arg1[%get3A_215, %get3A_216] : memref<3200x128xf32, #tpu.memory_space<vmem>>, vector<50x128xf32>
    %add3A_218 = arith.addf %get3A_217, %get3A_7 : vector<50x128xf32>
    %dot_general3A_219 = arith.constant dense<0.000000e+00> : vector<50x1000xf32>
    %dot_general3A_220 = tpu.matmul %add3A_218, %get3A_1, %dot_general3A_219 {dimension_numbers = #tpu.dot_dimension_numbers<[1], [0], [0], [1], [0, 0, 1, 1], [], []>, transpose_lhs_hint = false} : vector<50x128xf32>, vector<128x1000xf32>, vector<50x1000xf32> -> vector<50x1000xf32>
    %add3A_221 = vector.broadcast %get3A_4 : vector<1x1000xf32> to vector<50x1000xf32>
    %add3A_222 = arith.addf %dot_general3A_220, %add3A_221 : vector<50x1000xf32>
    %swap3A_223 = arith.constant 15 : index
    %swap3A_224 = arith.constant 0 : index
    %swap3A_225 = arith.constant 0 : index
    %swap3A_226 = vector.load %arg5[%swap3A_223, %swap3A_224, %swap3A_225] : memref<64x50x1000xf32, #tpu.memory_space<vmem>>, vector<1x50x1000xf32>
    %swap3A_227 = vector.shape_cast %swap3A_226 : vector<1x50x1000xf32> to vector<50x1000xf32>
    %swap3A_228 = vector.shape_cast %add3A_222 : vector<50x1000xf32> to vector<1x50x1000xf32>
    tpu.vector_store %arg5[%swap3A_223, %swap3A_224, %swap3A_225], %swap3A_228 {strides = array<i32>} : memref<64x50x1000xf32, #tpu.memory_space<vmem>>, vector<1x50x1000xf32>,
    %get3A_229 = arith.constant 800 : index
    %get3A_230 = arith.constant 0 : index
    %get3A_231 = vector.load %arg1[%get3A_229, %get3A_230] : memref<3200x128xf32, #tpu.memory_space<vmem>>, vector<50x128xf32>
    %add3A_232 = arith.addf %get3A_231, %get3A_7 : vector<50x128xf32>
    %dot_general3A_233 = arith.constant dense<0.000000e+00> : vector<50x1000xf32>
    %dot_general3A_234 = tpu.matmul %add3A_232, %get3A_1, %dot_general3A_233 {dimension_numbers = #tpu.dot_dimension_numbers<[1], [0], [0], [1], [0, 0, 1, 1], [], []>, transpose_lhs_hint = false} : vector<50x128xf32>, vector<128x1000xf32>, vector<50x1000xf32> -> vector<50x1000xf32>
    %add3A_235 = vector.broadcast %get3A_4 : vector<1x1000xf32> to vector<50x1000xf32>
    %add3A_236 = arith.addf %dot_general3A_234, %add3A_235 : vector<50x1000xf32>
    %swap3A_237 = arith.constant 16 : index
    %swap3A_238 = arith.constant 0 : index
    %swap3A_239 = arith.constant 0 : index
    %swap3A_240 = vector.load %arg5[%swap3A_237, %swap3A_238, %swap3A_239] : memref<64x50x1000xf32, #tpu.memory_space<vmem>>, vector<1x50x1000xf32>
    %swap3A_241 = vector.shape_cast %swap3A_240 : vector<1x50x1000xf32> to vector<50x1000xf32>
    %swap3A_242 = vector.shape_cast %add3A_236 : vector<50x1000xf32> to vector<1x50x1000xf32>
    tpu.vector_store %arg5[%swap3A_237, %swap3A_238, %swap3A_239], %swap3A_242 {strides = array<i32>} : memref<64x50x1000xf32, #tpu.memory_space<vmem>>, vector<1x50x1000xf32>,
    %get3A_243 = arith.constant 850 : index
    %get3A_244 = arith.constant 0 : index
    %get3A_245 = vector.load %arg1[%get3A_243, %get3A_244] : memref<3200x128xf32, #tpu.memory_space<vmem>>, vector<50x128xf32>
    %add3A_246 = arith.addf %get3A_245, %get3A_7 : vector<50x128xf32>
    %dot_general3A_247 = arith.constant dense<0.000000e+00> : vector<50x1000xf32>
    %dot_general3A_248 = tpu.matmul %add3A_246, %get3A_1, %dot_general3A_247 {dimension_numbers = #tpu.dot_dimension_numbers<[1], [0], [0], [1], [0, 0, 1, 1], [], []>, transpose_lhs_hint = false} : vector<50x128xf32>, vector<128x1000xf32>, vector<50x1000xf32> -> vector<50x1000xf32>
    %add3A_249 = vector.broadcast %get3A_4 : vector<1x1000xf32> to vector<50x1000xf32>
    %add3A_250 = arith.addf %dot_general3A_248, %add3A_249 : vector<50x1000xf32>
    %swap3A_251 = arith.constant 17 : index
    %swap3A_252 = arith.constant 0 : index
    %swap3A_253 = arith.constant 0 : index
    %swap3A_254 = vector.load %arg5[%swap3A_251, %swap3A_252, %swap3A_253] : memref<64x50x1000xf32, #tpu.memory_space<vmem>>, vector<1x50x1000xf32>
    %swap3A_255 = vector.shape_cast %swap3A_254 : vector<1x50x1000xf32> to vector<50x1000xf32>
    %swap3A_256 = vector.shape_cast %add3A_250 : vector<50x1000xf32> to vector<1x50x1000xf32>
    tpu.vector_store %arg5[%swap3A_251, %swap3A_252, %swap3A_253], %swap3A_256 {strides = array<i32>} : memref<64x50x1000xf32, #tpu.memory_space<vmem>>, vector<1x50x1000xf32>,
    %get3A_257 = arith.constant 900 : index
    %get3A_258 = arith.constant 0 : index
    %get3A_259 = vector.load %arg1[%get3A_257, %get3A_258] : memref<3200x128xf32, #tpu.memory_space<vmem>>, vector<50x128xf32>
    %add3A_260 = arith.addf %get3A_259, %get3A_7 : vector<50x128xf32>
    %dot_general3A_261 = arith.constant dense<0.000000e+00> : vector<50x1000xf32>
    %dot_general3A_262 = tpu.matmul %add3A_260, %get3A_1, %dot_general3A_261 {dimension_numbers = #tpu.dot_dimension_numbers<[1], [0], [0], [1], [0, 0, 1, 1], [], []>, transpose_lhs_hint = false} : vector<50x128xf32>, vector<128x1000xf32>, vector<50x1000xf32> -> vector<50x1000xf32>
    %add3A_263 = vector.broadcast %get3A_4 : vector<1x1000xf32> to vector<50x1000xf32>
    %add3A_264 = arith.addf %dot_general3A_262, %add3A_263 : vector<50x1000xf32>
    %swap3A_265 = arith.constant 18 : index
    %swap3A_266 = arith.constant 0 : index
    %swap3A_267 = arith.constant 0 : index
    %swap3A_268 = vector.load %arg5[%swap3A_265, %swap3A_266, %swap3A_267] : memref<64x50x1000xf32, #tpu.memory_space<vmem>>, vector<1x50x1000xf32>
    %swap3A_269 = vector.shape_cast %swap3A_268 : vector<1x50x1000xf32> to vector<50x1000xf32>
    %swap3A_270 = vector.shape_cast %add3A_264 : vector<50x1000xf32> to vector<1x50x1000xf32>
    tpu.vector_store %arg5[%swap3A_265, %swap3A_266, %swap3A_267], %swap3A_270 {strides = array<i32>} : memref<64x50x1000xf32, #tpu.memory_space<vmem>>, vector<1x50x1000xf32>,
    %get3A_271 = arith.constant 950 : index
    %get3A_272 = arith.constant 0 : index
    %get3A_273 = vector.load %arg1[%get3A_271, %get3A_272] : memref<3200x128xf32, #tpu.memory_space<vmem>>, vector<50x128xf32>
    %add3A_274 = arith.addf %get3A_273, %get3A_7 : vector<50x128xf32>
    %dot_general3A_275 = arith.constant dense<0.000000e+00> : vector<50x1000xf32>
    %dot_general3A_276 = tpu.matmul %add3A_274, %get3A_1, %dot_general3A_275 {dimension_numbers = #tpu.dot_dimension_numbers<[1], [0], [0], [1], [0, 0, 1, 1], [], []>, transpose_lhs_hint = false} : vector<50x128xf32>, vector<128x1000xf32>, vector<50x1000xf32> -> vector<50x1000xf32>
    %add3A_277 = vector.broadcast %get3A_4 : vector<1x1000xf32> to vector<50x1000xf32>
    %add3A_278 = arith.addf %dot_general3A_276, %add3A_277 : vector<50x1000xf32>
    %swap3A_279 = arith.constant 19 : index
    %swap3A_280 = arith.constant 0 : index
    %swap3A_281 = arith.constant 0 : index
    %swap3A_282 = vector.load %arg5[%swap3A_279, %swap3A_280, %swap3A_281] : memref<64x50x1000xf32, #tpu.memory_space<vmem>>, vector<1x50x1000xf32>
    %swap3A_283 = vector.shape_cast %swap3A_282 : vector<1x50x1000xf32> to vector<50x1000xf32>
    %swap3A_284 = vector.shape_cast %add3A_278 : vector<50x1000xf32> to vector<1x50x1000xf32>
    tpu.vector_store %arg5[%swap3A_279, %swap3A_280, %swap3A_281], %swap3A_284 {strides = array<i32>} : memref<64x50x1000xf32, #tpu.memory_space<vmem>>, vector<1x50x1000xf32>,
    %get3A_285 = arith.constant 1000 : index
    %get3A_286 = arith.constant 0 : index
    %get3A_287 = vector.load %arg1[%get3A_285, %get3A_286] : memref<3200x128xf32, #tpu.memory_space<vmem>>, vector<50x128xf32>
    %add3A_288 = arith.addf %get3A_287, %get3A_7 : vector<50x128xf32>
    %dot_general3A_289 = arith.constant dense<0.000000e+00> : vector<50x1000xf32>
    %dot_general3A_290 = tpu.matmul %add3A_288, %get3A_1, %dot_general3A_289 {dimension_numbers = #tpu.dot_dimension_numbers<[1], [0], [0], [1], [0, 0, 1, 1], [], []>, transpose_lhs_hint = false} : vector<50x128xf32>, vector<128x1000xf32>, vector<50x1000xf32> -> vector<50x1000xf32>
    %add3A_291 = vector.broadcast %get3A_4 : vector<1x1000xf32> to vector<50x1000xf32>
    %add3A_292 = arith.addf %dot_general3A_290, %add3A_291 : vector<50x1000xf32>
    %swap3A_293 = arith.constant 20 : index
    %swap3A_294 = arith.constant 0 : index
    %swap3A_295 = arith.constant 0 : index
    %swap3A_296 = vector.load %arg5[%swap3A_293, %swap3A_294, %swap3A_295] : memref<64x50x1000xf32, #tpu.memory_space<vmem>>, vector<1x50x1000xf32>
    %swap3A_297 = vector.shape_cast %swap3A_296 : vector<1x50x1000xf32> to vector<50x1000xf32>
    %swap3A_298 = vector.shape_cast %add3A_292 : vector<50x1000xf32> to vector<1x50x1000xf32>
    tpu.vector_store %arg5[%swap3A_293, %swap3A_294, %swap3A_295], %swap3A_298 {strides = array<i32>} : memref<64x50x1000xf32, #tpu.memory_space<vmem>>, vector<1x50x1000xf32>,
    %get3A_299 = arith.constant 1050 : index
    %get3A_300 = arith.constant 0 : index
    %get3A_301 = vector.load %arg1[%get3A_299, %get3A_300] : memref<3200x128xf32, #tpu.memory_space<vmem>>, vector<50x128xf32>
    %add3A_302 = arith.addf %get3A_301, %get3A_7 : vector<50x128xf32>
    %dot_general3A_303 = arith.constant dense<0.000000e+00> : vector<50x1000xf32>
    %dot_general3A_304 = tpu.matmul %add3A_302, %get3A_1, %dot_general3A_303 {dimension_numbers = #tpu.dot_dimension_numbers<[1], [0], [0], [1], [0, 0, 1, 1], [], []>, transpose_lhs_hint = false} : vector<50x128xf32>, vector<128x1000xf32>, vector<50x1000xf32> -> vector<50x1000xf32>
    %add3A_305 = vector.broadcast %get3A_4 : vector<1x1000xf32> to vector<50x1000xf32>
    %add3A_306 = arith.addf %dot_general3A_304, %add3A_305 : vector<50x1000xf32>
    %swap3A_307 = arith.constant 21 : index
    %swap3A_308 = arith.constant 0 : index
    %swap3A_309 = arith.constant 0 : index
    %swap3A_310 = vector.load %arg5[%swap3A_307, %swap3A_308, %swap3A_309] : memref<64x50x1000xf32, #tpu.memory_space<vmem>>, vector<1x50x1000xf32>
    %swap3A_311 = vector.shape_cast %swap3A_310 : vector<1x50x1000xf32> to vector<50x1000xf32>
    %swap3A_312 = vector.shape_cast %add3A_306 : vector<50x1000xf32> to vector<1x50x1000xf32>
    tpu.vector_store %arg5[%swap3A_307, %swap3A_308, %swap3A_309], %swap3A_312 {strides = array<i32>} : memref<64x50x1000xf32, #tpu.memory_space<vmem>>, vector<1x50x1000xf32>,
    %get3A_313 = arith.constant 1100 : index
    %get3A_314 = arith.constant 0 : index
    %get3A_315 = vector.load %arg1[%get3A_313, %get3A_314] : memref<3200x128xf32, #tpu.memory_space<vmem>>, vector<50x128xf32>
    %add3A_316 = arith.addf %get3A_315, %get3A_7 : vector<50x128xf32>
    %dot_general3A_317 = arith.constant dense<0.000000e+00> : vector<50x1000xf32>
    %dot_general3A_318 = tpu.matmul %add3A_316, %get3A_1, %dot_general3A_317 {dimension_numbers = #tpu.dot_dimension_numbers<[1], [0], [0], [1], [0, 0, 1, 1], [], []>, transpose_lhs_hint = false} : vector<50x128xf32>, vector<128x1000xf32>, vector<50x1000xf32> -> vector<50x1000xf32>
    %add3A_319 = vector.broadcast %get3A_4 : vector<1x1000xf32> to vector<50x1000xf32>
    %add3A_320 = arith.addf %dot_general3A_318, %add3A_319 : vector<50x1000xf32>
    %swap3A_321 = arith.constant 22 : index
    %swap3A_322 = arith.constant 0 : index
    %swap3A_323 = arith.constant 0 : index
    %swap3A_324 = vector.load %arg5[%swap3A_321, %swap3A_322, %swap3A_323] : memref<64x50x1000xf32, #tpu.memory_space<vmem>>, vector<1x50x1000xf32>
    %swap3A_325 = vector.shape_cast %swap3A_324 : vector<1x50x1000xf32> to vector<50x1000xf32>
    %swap3A_326 = vector.shape_cast %add3A_320 : vector<50x1000xf32> to vector<1x50x1000xf32>
    tpu.vector_store %arg5[%swap3A_321, %swap3A_322, %swap3A_323], %swap3A_326 {strides = array<i32>} : memref<64x50x1000xf32, #tpu.memory_space<vmem>>, vector<1x50x1000xf32>,
    %get3A_327 = arith.constant 1150 : index
    %get3A_328 = arith.constant 0 : index
    %get3A_329 = vector.load %arg1[%get3A_327, %get3A_328] : memref<3200x128xf32, #tpu.memory_space<vmem>>, vector<50x128xf32>
    %add3A_330 = arith.addf %get3A_329, %get3A_7 : vector<50x128xf32>
    %dot_general3A_331 = arith.constant dense<0.000000e+00> : vector<50x1000xf32>
    %dot_general3A_332 = tpu.matmul %add3A_330, %get3A_1, %dot_general3A_331 {dimension_numbers = #tpu.dot_dimension_numbers<[1], [0], [0], [1], [0, 0, 1, 1], [], []>, transpose_lhs_hint = false} : vector<50x128xf32>, vector<128x1000xf32>, vector<50x1000xf32> -> vector<50x1000xf32>
    %add3A_333 = vector.broadcast %get3A_4 : vector<1x1000xf32> to vector<50x1000xf32>
    %add3A_334 = arith.addf %dot_general3A_332, %add3A_333 : vector<50x1000xf32>
    %swap3A_335 = arith.constant 23 : index
    %swap3A_336 = arith.constant 0 : index
    %swap3A_337 = arith.constant 0 : index
    %swap3A_338 = vector.load %arg5[%swap3A_335, %swap3A_336, %swap3A_337] : memref<64x50x1000xf32, #tpu.memory_space<vmem>>, vector<1x50x1000xf32>
    %swap3A_339 = vector.shape_cast %swap3A_338 : vector<1x50x1000xf32> to vector<50x1000xf32>
    %swap3A_340 = vector.shape_cast %add3A_334 : vector<50x1000xf32> to vector<1x50x1000xf32>
    tpu.vector_store %arg5[%swap3A_335, %swap3A_336, %swap3A_337], %swap3A_340 {strides = array<i32>} : memref<64x50x1000xf32, #tpu.memory_space<vmem>>, vector<1x50x1000xf32>,
    %get3A_341 = arith.constant 1200 : index
    %get3A_342 = arith.constant 0 : index
    %get3A_343 = vector.load %arg1[%get3A_341, %get3A_342] : memref<3200x128xf32, #tpu.memory_space<vmem>>, vector<50x128xf32>
    %add3A_344 = arith.addf %get3A_343, %get3A_7 : vector<50x128xf32>
    %dot_general3A_345 = arith.constant dense<0.000000e+00> : vector<50x1000xf32>
    %dot_general3A_346 = tpu.matmul %add3A_344, %get3A_1, %dot_general3A_345 {dimension_numbers = #tpu.dot_dimension_numbers<[1], [0], [0], [1], [0, 0, 1, 1], [], []>, transpose_lhs_hint = false} : vector<50x128xf32>, vector<128x1000xf32>, vector<50x1000xf32> -> vector<50x1000xf32>
    %add3A_347 = vector.broadcast %get3A_4 : vector<1x1000xf32> to vector<50x1000xf32>
    %add3A_348 = arith.addf %dot_general3A_346, %add3A_347 : vector<50x1000xf32>
    %swap3A_349 = arith.constant 24 : index
    %swap3A_350 = arith.constant 0 : index
    %swap3A_351 = arith.constant 0 : index
    %swap3A_352 = vector.load %arg5[%swap3A_349, %swap3A_350, %swap3A_351] : memref<64x50x1000xf32, #tpu.memory_space<vmem>>, vector<1x50x1000xf32>
    %swap3A_353 = vector.shape_cast %swap3A_352 : vector<1x50x1000xf32> to vector<50x1000xf32>
    %swap3A_354 = vector.shape_cast %add3A_348 : vector<50x1000xf32> to vector<1x50x1000xf32>
    tpu.vector_store %arg5[%swap3A_349, %swap3A_350, %swap3A_351], %swap3A_354 {strides = array<i32>} : memref<64x50x1000xf32, #tpu.memory_space<vmem>>, vector<1x50x1000xf32>,
    %get3A_355 = arith.constant 1250 : index
    %get3A_356 = arith.constant 0 : index
    %get3A_357 = vector.load %arg1[%get3A_355, %get3A_356] : memref<3200x128xf32, #tpu.memory_space<vmem>>, vector<50x128xf32>
    %add3A_358 = arith.addf %get3A_357, %get3A_7 : vector<50x128xf32>
    %dot_general3A_359 = arith.constant dense<0.000000e+00> : vector<50x1000xf32>
    %dot_general3A_360 = tpu.matmul %add3A_358, %get3A_1, %dot_general3A_359 {dimension_numbers = #tpu.dot_dimension_numbers<[1], [0], [0], [1], [0, 0, 1, 1], [], []>, transpose_lhs_hint = false} : vector<50x128xf32>, vector<128x1000xf32>, vector<50x1000xf32> -> vector<50x1000xf32>
    %add3A_361 = vector.broadcast %get3A_4 : vector<1x1000xf32> to vector<50x1000xf32>
    %add3A_362 = arith.addf %dot_general3A_360, %add3A_361 : vector<50x1000xf32>
    %swap3A_363 = arith.constant 25 : index
    %swap3A_364 = arith.constant 0 : index
    %swap3A_365 = arith.constant 0 : index
    %swap3A_366 = vector.load %arg5[%swap3A_363, %swap3A_364, %swap3A_365] : memref<64x50x1000xf32, #tpu.memory_space<vmem>>, vector<1x50x1000xf32>
    %swap3A_367 = vector.shape_cast %swap3A_366 : vector<1x50x1000xf32> to vector<50x1000xf32>
    %swap3A_368 = vector.shape_cast %add3A_362 : vector<50x1000xf32> to vector<1x50x1000xf32>
    tpu.vector_store %arg5[%swap3A_363, %swap3A_364, %swap3A_365], %swap3A_368 {strides = array<i32>} : memref<64x50x1000xf32, #tpu.memory_space<vmem>>, vector<1x50x1000xf32>,
    %get3A_369 = arith.constant 1300 : index
    %get3A_370 = arith.constant 0 : index
    %get3A_371 = vector.load %arg1[%get3A_369, %get3A_370] : memref<3200x128xf32, #tpu.memory_space<vmem>>, vector<50x128xf32>
    %add3A_372 = arith.addf %get3A_371, %get3A_7 : vector<50x128xf32>
    %dot_general3A_373 = arith.constant dense<0.000000e+00> : vector<50x1000xf32>
    %dot_general3A_374 = tpu.matmul %add3A_372, %get3A_1, %dot_general3A_373 {dimension_numbers = #tpu.dot_dimension_numbers<[1], [0], [0], [1], [0, 0, 1, 1], [], []>, transpose_lhs_hint = false} : vector<50x128xf32>, vector<128x1000xf32>, vector<50x1000xf32> -> vector<50x1000xf32>
    %add3A_375 = vector.broadcast %get3A_4 : vector<1x1000xf32> to vector<50x1000xf32>
    %add3A_376 = arith.addf %dot_general3A_374, %add3A_375 : vector<50x1000xf32>
    %swap3A_377 = arith.constant 26 : index
    %swap3A_378 = arith.constant 0 : index
    %swap3A_379 = arith.constant 0 : index
    %swap3A_380 = vector.load %arg5[%swap3A_377, %swap3A_378, %swap3A_379] : memref<64x50x1000xf32, #tpu.memory_space<vmem>>, vector<1x50x1000xf32>
    %swap3A_381 = vector.shape_cast %swap3A_380 : vector<1x50x1000xf32> to vector<50x1000xf32>
    %swap3A_382 = vector.shape_cast %add3A_376 : vector<50x1000xf32> to vector<1x50x1000xf32>
    tpu.vector_store %arg5[%swap3A_377, %swap3A_378, %swap3A_379], %swap3A_382 {strides = array<i32>} : memref<64x50x1000xf32, #tpu.memory_space<vmem>>, vector<1x50x1000xf32>,
    %get3A_383 = arith.constant 1350 : index
    %get3A_384 = arith.constant 0 : index
    %get3A_385 = vector.load %arg1[%get3A_383, %get3A_384] : memref<3200x128xf32, #tpu.memory_space<vmem>>, vector<50x128xf32>
    %add3A_386 = arith.addf %get3A_385, %get3A_7 : vector<50x128xf32>
    %dot_general3A_387 = arith.constant dense<0.000000e+00> : vector<50x1000xf32>
    %dot_general3A_388 = tpu.matmul %add3A_386, %get3A_1, %dot_general3A_387 {dimension_numbers = #tpu.dot_dimension_numbers<[1], [0], [0], [1], [0, 0, 1, 1], [], []>, transpose_lhs_hint = false} : vector<50x128xf32>, vector<128x1000xf32>, vector<50x1000xf32> -> vector<50x1000xf32>
    %add3A_389 = vector.broadcast %get3A_4 : vector<1x1000xf32> to vector<50x1000xf32>
    %add3A_390 = arith.addf %dot_general3A_388, %add3A_389 : vector<50x1000xf32>
    %swap3A_391 = arith.constant 27 : index
    %swap3A_392 = arith.constant 0 : index
    %swap3A_393 = arith.constant 0 : index
    %swap3A_394 = vector.load %arg5[%swap3A_391, %swap3A_392, %swap3A_393] : memref<64x50x1000xf32, #tpu.memory_space<vmem>>, vector<1x50x1000xf32>
    %swap3A_395 = vector.shape_cast %swap3A_394 : vector<1x50x1000xf32> to vector<50x1000xf32>
    %swap3A_396 = vector.shape_cast %add3A_390 : vector<50x1000xf32> to vector<1x50x1000xf32>
    tpu.vector_store %arg5[%swap3A_391, %swap3A_392, %swap3A_393], %swap3A_396 {strides = array<i32>} : memref<64x50x1000xf32, #tpu.memory_space<vmem>>, vector<1x50x1000xf32>,
    %get3A_397 = arith.constant 1400 : index
    %get3A_398 = arith.constant 0 : index
    %get3A_399 = vector.load %arg1[%get3A_397, %get3A_398] : memref<3200x128xf32, #tpu.memory_space<vmem>>, vector<50x128xf32>
    %add3A_400 = arith.addf %get3A_399, %get3A_7 : vector<50x128xf32>
    %dot_general3A_401 = arith.constant dense<0.000000e+00> : vector<50x1000xf32>
    %dot_general3A_402 = tpu.matmul %add3A_400, %get3A_1, %dot_general3A_401 {dimension_numbers = #tpu.dot_dimension_numbers<[1], [0], [0], [1], [0, 0, 1, 1], [], []>, transpose_lhs_hint = false} : vector<50x128xf32>, vector<128x1000xf32>, vector<50x1000xf32> -> vector<50x1000xf32>
    %add3A_403 = vector.broadcast %get3A_4 : vector<1x1000xf32> to vector<50x1000xf32>
    %add3A_404 = arith.addf %dot_general3A_402, %add3A_403 : vector<50x1000xf32>
    %swap3A_405 = arith.constant 28 : index
    %swap3A_406 = arith.constant 0 : index
    %swap3A_407 = arith.constant 0 : index
    %swap3A_408 = vector.load %arg5[%swap3A_405, %swap3A_406, %swap3A_407] : memref<64x50x1000xf32, #tpu.memory_space<vmem>>, vector<1x50x1000xf32>
    %swap3A_409 = vector.shape_cast %swap3A_408 : vector<1x50x1000xf32> to vector<50x1000xf32>
    %swap3A_410 = vector.shape_cast %add3A_404 : vector<50x1000xf32> to vector<1x50x1000xf32>
    tpu.vector_store %arg5[%swap3A_405, %swap3A_406, %swap3A_407], %swap3A_410 {strides = array<i32>} : memref<64x50x1000xf32, #tpu.memory_space<vmem>>, vector<1x50x1000xf32>,
    %get3A_411 = arith.constant 1450 : index
    %get3A_412 = arith.constant 0 : index
    %get3A_413 = vector.load %arg1[%get3A_411, %get3A_412] : memref<3200x128xf32, #tpu.memory_space<vmem>>, vector<50x128xf32>
    %add3A_414 = arith.addf %get3A_413, %get3A_7 : vector<50x128xf32>
    %dot_general3A_415 = arith.constant dense<0.000000e+00> : vector<50x1000xf32>
    %dot_general3A_416 = tpu.matmul %add3A_414, %get3A_1, %dot_general3A_415 {dimension_numbers = #tpu.dot_dimension_numbers<[1], [0], [0], [1], [0, 0, 1, 1], [], []>, transpose_lhs_hint = false} : vector<50x128xf32>, vector<128x1000xf32>, vector<50x1000xf32> -> vector<50x1000xf32>
    %add3A_417 = vector.broadcast %get3A_4 : vector<1x1000xf32> to vector<50x1000xf32>
    %add3A_418 = arith.addf %dot_general3A_416, %add3A_417 : vector<50x1000xf32>
    %swap3A_419 = arith.constant 29 : index
    %swap3A_420 = arith.constant 0 : index
    %swap3A_421 = arith.constant 0 : index
    %swap3A_422 = vector.load %arg5[%swap3A_419, %swap3A_420, %swap3A_421] : memref<64x50x1000xf32, #tpu.memory_space<vmem>>, vector<1x50x1000xf32>
    %swap3A_423 = vector.shape_cast %swap3A_422 : vector<1x50x1000xf32> to vector<50x1000xf32>
    %swap3A_424 = vector.shape_cast %add3A_418 : vector<50x1000xf32> to vector<1x50x1000xf32>
    tpu.vector_store %arg5[%swap3A_419, %swap3A_420, %swap3A_421], %swap3A_424 {strides = array<i32>} : memref<64x50x1000xf32, #tpu.memory_space<vmem>>, vector<1x50x1000xf32>,
    %get3A_425 = arith.constant 1500 : index
    %get3A_426 = arith.constant 0 : index
    %get3A_427 = vector.load %arg1[%get3A_425, %get3A_426] : memref<3200x128xf32, #tpu.memory_space<vmem>>, vector<50x128xf32>
    %add3A_428 = arith.addf %get3A_427, %get3A_7 : vector<50x128xf32>
    %dot_general3A_429 = arith.constant dense<0.000000e+00> : vector<50x1000xf32>
    %dot_general3A_430 = tpu.matmul %add3A_428, %get3A_1, %dot_general3A_429 {dimension_numbers = #tpu.dot_dimension_numbers<[1], [0], [0], [1], [0, 0, 1, 1], [], []>, transpose_lhs_hint = false} : vector<50x128xf32>, vector<128x1000xf32>, vector<50x1000xf32> -> vector<50x1000xf32>
    %add3A_431 = vector.broadcast %get3A_4 : vector<1x1000xf32> to vector<50x1000xf32>
    %add3A_432 = arith.addf %dot_general3A_430, %add3A_431 : vector<50x1000xf32>
    %swap3A_433 = arith.constant 30 : index
    %swap3A_434 = arith.constant 0 : index
    %swap3A_435 = arith.constant 0 : index
    %swap3A_436 = vector.load %arg5[%swap3A_433, %swap3A_434, %swap3A_435] : memref<64x50x1000xf32, #tpu.memory_space<vmem>>, vector<1x50x1000xf32>
    %swap3A_437 = vector.shape_cast %swap3A_436 : vector<1x50x1000xf32> to vector<50x1000xf32>
    %swap3A_438 = vector.shape_cast %add3A_432 : vector<50x1000xf32> to vector<1x50x1000xf32>
    tpu.vector_store %arg5[%swap3A_433, %swap3A_434, %swap3A_435], %swap3A_438 {strides = array<i32>} : memref<64x50x1000xf32, #tpu.memory_space<vmem>>, vector<1x50x1000xf32>,
    %get3A_439 = arith.constant 1550 : index
    %get3A_440 = arith.constant 0 : index
    %get3A_441 = vector.load %arg1[%get3A_439, %get3A_440] : memref<3200x128xf32, #tpu.memory_space<vmem>>, vector<50x128xf32>
    %add3A_442 = arith.addf %get3A_441, %get3A_7 : vector<50x128xf32>
    %dot_general3A_443 = arith.constant dense<0.000000e+00> : vector<50x1000xf32>
    %dot_general3A_444 = tpu.matmul %add3A_442, %get3A_1, %dot_general3A_443 {dimension_numbers = #tpu.dot_dimension_numbers<[1], [0], [0], [1], [0, 0, 1, 1], [], []>, transpose_lhs_hint = false} : vector<50x128xf32>, vector<128x1000xf32>, vector<50x1000xf32> -> vector<50x1000xf32>
    %add3A_445 = vector.broadcast %get3A_4 : vector<1x1000xf32> to vector<50x1000xf32>
    %add3A_446 = arith.addf %dot_general3A_444, %add3A_445 : vector<50x1000xf32>
    %swap3A_447 = arith.constant 31 : index
    %swap3A_448 = arith.constant 0 : index
    %swap3A_449 = arith.constant 0 : index
    %swap3A_450 = vector.load %arg5[%swap3A_447, %swap3A_448, %swap3A_449] : memref<64x50x1000xf32, #tpu.memory_space<vmem>>, vector<1x50x1000xf32>
    %swap3A_451 = vector.shape_cast %swap3A_450 : vector<1x50x1000xf32> to vector<50x1000xf32>
    %swap3A_452 = vector.shape_cast %add3A_446 : vector<50x1000xf32> to vector<1x50x1000xf32>
    tpu.vector_store %arg5[%swap3A_447, %swap3A_448, %swap3A_449], %swap3A_452 {strides = array<i32>} : memref<64x50x1000xf32, #tpu.memory_space<vmem>>, vector<1x50x1000xf32>,
    %get3A_453 = arith.constant 1600 : index
    %get3A_454 = arith.constant 0 : index
    %get3A_455 = vector.load %arg1[%get3A_453, %get3A_454] : memref<3200x128xf32, #tpu.memory_space<vmem>>, vector<50x128xf32>
    %add3A_456 = arith.addf %get3A_455, %get3A_7 : vector<50x128xf32>
    %dot_general3A_457 = arith.constant dense<0.000000e+00> : vector<50x1000xf32>
    %dot_general3A_458 = tpu.matmul %add3A_456, %get3A_1, %dot_general3A_457 {dimension_numbers = #tpu.dot_dimension_numbers<[1], [0], [0], [1], [0, 0, 1, 1], [], []>, transpose_lhs_hint = false} : vector<50x128xf32>, vector<128x1000xf32>, vector<50x1000xf32> -> vector<50x1000xf32>
    %add3A_459 = vector.broadcast %get3A_4 : vector<1x1000xf32> to vector<50x1000xf32>
    %add3A_460 = arith.addf %dot_general3A_458, %add3A_459 : vector<50x1000xf32>
    %swap3A_461 = arith.constant 32 : index
    %swap3A_462 = arith.constant 0 : index
    %swap3A_463 = arith.constant 0 : index
    %swap3A_464 = vector.load %arg5[%swap3A_461, %swap3A_462, %swap3A_463] : memref<64x50x1000xf32, #tpu.memory_space<vmem>>, vector<1x50x1000xf32>
    %swap3A_465 = vector.shape_cast %swap3A_464 : vector<1x50x1000xf32> to vector<50x1000xf32>
    %swap3A_466 = vector.shape_cast %add3A_460 : vector<50x1000xf32> to vector<1x50x1000xf32>
    tpu.vector_store %arg5[%swap3A_461, %swap3A_462, %swap3A_463], %swap3A_466 {strides = array<i32>} : memref<64x50x1000xf32, #tpu.memory_space<vmem>>, vector<1x50x1000xf32>,
    %get3A_467 = arith.constant 1650 : index
    %get3A_468 = arith.constant 0 : index
    %get3A_469 = vector.load %arg1[%get3A_467, %get3A_468] : memref<3200x128xf32, #tpu.memory_space<vmem>>, vector<50x128xf32>
    %add3A_470 = arith.addf %get3A_469, %get3A_7 : vector<50x128xf32>
    %dot_general3A_471 = arith.constant dense<0.000000e+00> : vector<50x1000xf32>
    %dot_general3A_472 = tpu.matmul %add3A_470, %get3A_1, %dot_general3A_471 {dimension_numbers = #tpu.dot_dimension_numbers<[1], [0], [0], [1], [0, 0, 1, 1], [], []>, transpose_lhs_hint = false} : vector<50x128xf32>, vector<128x1000xf32>, vector<50x1000xf32> -> vector<50x1000xf32>
    %add3A_473 = vector.broadcast %get3A_4 : vector<1x1000xf32> to vector<50x1000xf32>
    %add3A_474 = arith.addf %dot_general3A_472, %add3A_473 : vector<50x1000xf32>
    %swap3A_475 = arith.constant 33 : index
    %swap3A_476 = arith.constant 0 : index
    %swap3A_477 = arith.constant 0 : index
    %swap3A_478 = vector.load %arg5[%swap3A_475, %swap3A_476, %swap3A_477] : memref<64x50x1000xf32, #tpu.memory_space<vmem>>, vector<1x50x1000xf32>
    %swap3A_479 = vector.shape_cast %swap3A_478 : vector<1x50x1000xf32> to vector<50x1000xf32>
    %swap3A_480 = vector.shape_cast %add3A_474 : vector<50x1000xf32> to vector<1x50x1000xf32>
    tpu.vector_store %arg5[%swap3A_475, %swap3A_476, %swap3A_477], %swap3A_480 {strides = array<i32>} : memref<64x50x1000xf32, #tpu.memory_space<vmem>>, vector<1x50x1000xf32>,
    %get3A_481 = arith.constant 1700 : index
    %get3A_482 = arith.constant 0 : index
    %get3A_483 = vector.load %arg1[%get3A_481, %get3A_482] : memref<3200x128xf32, #tpu.memory_space<vmem>>, vector<50x128xf32>
    %add3A_484 = arith.addf %get3A_483, %get3A_7 : vector<50x128xf32>
    %dot_general3A_485 = arith.constant dense<0.000000e+00> : vector<50x1000xf32>
    %dot_general3A_486 = tpu.matmul %add3A_484, %get3A_1, %dot_general3A_485 {dimension_numbers = #tpu.dot_dimension_numbers<[1], [0], [0], [1], [0, 0, 1, 1], [], []>, transpose_lhs_hint = false} : vector<50x128xf32>, vector<128x1000xf32>, vector<50x1000xf32> -> vector<50x1000xf32>
    %add3A_487 = vector.broadcast %get3A_4 : vector<1x1000xf32> to vector<50x1000xf32>
    %add3A_488 = arith.addf %dot_general3A_486, %add3A_487 : vector<50x1000xf32>
    %swap3A_489 = arith.constant 34 : index
    %swap3A_490 = arith.constant 0 : index
    %swap3A_491 = arith.constant 0 : index
    %swap3A_492 = vector.load %arg5[%swap3A_489, %swap3A_490, %swap3A_491] : memref<64x50x1000xf32, #tpu.memory_space<vmem>>, vector<1x50x1000xf32>
    %swap3A_493 = vector.shape_cast %swap3A_492 : vector<1x50x1000xf32> to vector<50x1000xf32>
    %swap3A_494 = vector.shape_cast %add3A_488 : vector<50x1000xf32> to vector<1x50x1000xf32>
    tpu.vector_store %arg5[%swap3A_489, %swap3A_490, %swap3A_491], %swap3A_494 {strides = array<i32>} : memref<64x50x1000xf32, #tpu.memory_space<vmem>>, vector<1x50x1000xf32>,
    %get3A_495 = arith.constant 1750 : index
    %get3A_496 = arith.constant 0 : index
    %get3A_497 = vector.load %arg1[%get3A_495, %get3A_496] : memref<3200x128xf32, #tpu.memory_space<vmem>>, vector<50x128xf32>
    %add3A_498 = arith.addf %get3A_497, %get3A_7 : vector<50x128xf32>
    %dot_general3A_499 = arith.constant dense<0.000000e+00> : vector<50x1000xf32>
    %dot_general3A_500 = tpu.matmul %add3A_498, %get3A_1, %dot_general3A_499 {dimension_numbers = #tpu.dot_dimension_numbers<[1], [0], [0], [1], [0, 0, 1, 1], [], []>, transpose_lhs_hint = false} : vector<50x128xf32>, vector<128x1000xf32>, vector<50x1000xf32> -> vector<50x1000xf32>
    %add3A_501 = vector.broadcast %get3A_4 : vector<1x1000xf32> to vector<50x1000xf32>
    %add3A_502 = arith.addf %dot_general3A_500, %add3A_501 : vector<50x1000xf32>
    %swap3A_503 = arith.constant 35 : index
    %swap3A_504 = arith.constant 0 : index
    %swap3A_505 = arith.constant 0 : index
    %swap3A_506 = vector.load %arg5[%swap3A_503, %swap3A_504, %swap3A_505] : memref<64x50x1000xf32, #tpu.memory_space<vmem>>, vector<1x50x1000xf32>
    %swap3A_507 = vector.shape_cast %swap3A_506 : vector<1x50x1000xf32> to vector<50x1000xf32>
    %swap3A_508 = vector.shape_cast %add3A_502 : vector<50x1000xf32> to vector<1x50x1000xf32>
    tpu.vector_store %arg5[%swap3A_503, %swap3A_504, %swap3A_505], %swap3A_508 {strides = array<i32>} : memref<64x50x1000xf32, #tpu.memory_space<vmem>>, vector<1x50x1000xf32>,
    %get3A_509 = arith.constant 1800 : index
    %get3A_510 = arith.constant 0 : index
    %get3A_511 = vector.load %arg1[%get3A_509, %get3A_510] : memref<3200x128xf32, #tpu.memory_space<vmem>>, vector<50x128xf32>
    %add3A_512 = arith.addf %get3A_511, %get3A_7 : vector<50x128xf32>
    %dot_general3A_513 = arith.constant dense<0.000000e+00> : vector<50x1000xf32>
    %dot_general3A_514 = tpu.matmul %add3A_512, %get3A_1, %dot_general3A_513 {dimension_numbers = #tpu.dot_dimension_numbers<[1], [0], [0], [1], [0, 0, 1, 1], [], []>, transpose_lhs_hint = false} : vector<50x128xf32>, vector<128x1000xf32>, vector<50x1000xf32> -> vector<50x1000xf32>
    %add3A_515 = vector.broadcast %get3A_4 : vector<1x1000xf32> to vector<50x1000xf32>
    %add3A_516 = arith.addf %dot_general3A_514, %add3A_515 : vector<50x1000xf32>
    %swap3A_517 = arith.constant 36 : index
    %swap3A_518 = arith.constant 0 : index
    %swap3A_519 = arith.constant 0 : index
    %swap3A_520 = vector.load %arg5[%swap3A_517, %swap3A_518, %swap3A_519] : memref<64x50x1000xf32, #tpu.memory_space<vmem>>, vector<1x50x1000xf32>
    %swap3A_521 = vector.shape_cast %swap3A_520 : vector<1x50x1000xf32> to vector<50x1000xf32>
    %swap3A_522 = vector.shape_cast %add3A_516 : vector<50x1000xf32> to vector<1x50x1000xf32>
    tpu.vector_store %arg5[%swap3A_517, %swap3A_518, %swap3A_519], %swap3A_522 {strides = array<i32>} : memref<64x50x1000xf32, #tpu.memory_space<vmem>>, vector<1x50x1000xf32>,
    %get3A_523 = arith.constant 1850 : index
    %get3A_524 = arith.constant 0 : index
    %get3A_525 = vector.load %arg1[%get3A_523, %get3A_524] : memref<3200x128xf32, #tpu.memory_space<vmem>>, vector<50x128xf32>
    %add3A_526 = arith.addf %get3A_525, %get3A_7 : vector<50x128xf32>
    %dot_general3A_527 = arith.constant dense<0.000000e+00> : vector<50x1000xf32>
    %dot_general3A_528 = tpu.matmul %add3A_526, %get3A_1, %dot_general3A_527 {dimension_numbers = #tpu.dot_dimension_numbers<[1], [0], [0], [1], [0, 0, 1, 1], [], []>, transpose_lhs_hint = false} : vector<50x128xf32>, vector<128x1000xf32>, vector<50x1000xf32> -> vector<50x1000xf32>
    %add3A_529 = vector.broadcast %get3A_4 : vector<1x1000xf32> to vector<50x1000xf32>
    %add3A_530 = arith.addf %dot_general3A_528, %add3A_529 : vector<50x1000xf32>
    %swap3A_531 = arith.constant 37 : index
    %swap3A_532 = arith.constant 0 : index
    %swap3A_533 = arith.constant 0 : index
    %swap3A_534 = vector.load %arg5[%swap3A_531, %swap3A_532, %swap3A_533] : memref<64x50x1000xf32, #tpu.memory_space<vmem>>, vector<1x50x1000xf32>
    %swap3A_535 = vector.shape_cast %swap3A_534 : vector<1x50x1000xf32> to vector<50x1000xf32>
    %swap3A_536 = vector.shape_cast %add3A_530 : vector<50x1000xf32> to vector<1x50x1000xf32>
    tpu.vector_store %arg5[%swap3A_531, %swap3A_532, %swap3A_533], %swap3A_536 {strides = array<i32>} : memref<64x50x1000xf32, #tpu.memory_space<vmem>>, vector<1x50x1000xf32>,
    %get3A_537 = arith.constant 1900 : index
    %get3A_538 = arith.constant 0 : index
    %get3A_539 = vector.load %arg1[%get3A_537, %get3A_538] : memref<3200x128xf32, #tpu.memory_space<vmem>>, vector<50x128xf32>
    %add3A_540 = arith.addf %get3A_539, %get3A_7 : vector<50x128xf32>
    %dot_general3A_541 = arith.constant dense<0.000000e+00> : vector<50x1000xf32>
    %dot_general3A_542 = tpu.matmul %add3A_540, %get3A_1, %dot_general3A_541 {dimension_numbers = #tpu.dot_dimension_numbers<[1], [0], [0], [1], [0, 0, 1, 1], [], []>, transpose_lhs_hint = false} : vector<50x128xf32>, vector<128x1000xf32>, vector<50x1000xf32> -> vector<50x1000xf32>
    %add3A_543 = vector.broadcast %get3A_4 : vector<1x1000xf32> to vector<50x1000xf32>
    %add3A_544 = arith.addf %dot_general3A_542, %add3A_543 : vector<50x1000xf32>
    %swap3A_545 = arith.constant 38 : index
    %swap3A_546 = arith.constant 0 : index
    %swap3A_547 = arith.constant 0 : index
    %swap3A_548 = vector.load %arg5[%swap3A_545, %swap3A_546, %swap3A_547] : memref<64x50x1000xf32, #tpu.memory_space<vmem>>, vector<1x50x1000xf32>
    %swap3A_549 = vector.shape_cast %swap3A_548 : vector<1x50x1000xf32> to vector<50x1000xf32>
    %swap3A_550 = vector.shape_cast %add3A_544 : vector<50x1000xf32> to vector<1x50x1000xf32>
    tpu.vector_store %arg5[%swap3A_545, %swap3A_546, %swap3A_547], %swap3A_550 {strides = array<i32>} : memref<64x50x1000xf32, #tpu.memory_space<vmem>>, vector<1x50x1000xf32>,
    %get3A_551 = arith.constant 1950 : index
    %get3A_552 = arith.constant 0 : index
    %get3A_553 = vector.load %arg1[%get3A_551, %get3A_552] : memref<3200x128xf32, #tpu.memory_space<vmem>>, vector<50x128xf32>
    %add3A_554 = arith.addf %get3A_553, %get3A_7 : vector<50x128xf32>
    %dot_general3A_555 = arith.constant dense<0.000000e+00> : vector<50x1000xf32>
    %dot_general3A_556 = tpu.matmul %add3A_554, %get3A_1, %dot_general3A_555 {dimension_numbers = #tpu.dot_dimension_numbers<[1], [0], [0], [1], [0, 0, 1, 1], [], []>, transpose_lhs_hint = false} : vector<50x128xf32>, vector<128x1000xf32>, vector<50x1000xf32> -> vector<50x1000xf32>
    %add3A_557 = vector.broadcast %get3A_4 : vector<1x1000xf32> to vector<50x1000xf32>
    %add3A_558 = arith.addf %dot_general3A_556, %add3A_557 : vector<50x1000xf32>
    %swap3A_559 = arith.constant 39 : index
    %swap3A_560 = arith.constant 0 : index
    %swap3A_561 = arith.constant 0 : index
    %swap3A_562 = vector.load %arg5[%swap3A_559, %swap3A_560, %swap3A_561] : memref<64x50x1000xf32, #tpu.memory_space<vmem>>, vector<1x50x1000xf32>
    %swap3A_563 = vector.shape_cast %swap3A_562 : vector<1x50x1000xf32> to vector<50x1000xf32>
    %swap3A_564 = vector.shape_cast %add3A_558 : vector<50x1000xf32> to vector<1x50x1000xf32>
    tpu.vector_store %arg5[%swap3A_559, %swap3A_560, %swap3A_561], %swap3A_564 {strides = array<i32>} : memref<64x50x1000xf32, #tpu.memory_space<vmem>>, vector<1x50x1000xf32>,
    %get3A_565 = arith.constant 2000 : index
    %get3A_566 = arith.constant 0 : index
    %get3A_567 = vector.load %arg1[%get3A_565, %get3A_566] : memref<3200x128xf32, #tpu.memory_space<vmem>>, vector<50x128xf32>
    %add3A_568 = arith.addf %get3A_567, %get3A_7 : vector<50x128xf32>
    %dot_general3A_569 = arith.constant dense<0.000000e+00> : vector<50x1000xf32>
    %dot_general3A_570 = tpu.matmul %add3A_568, %get3A_1, %dot_general3A_569 {dimension_numbers = #tpu.dot_dimension_numbers<[1], [0], [0], [1], [0, 0, 1, 1], [], []>, transpose_lhs_hint = false} : vector<50x128xf32>, vector<128x1000xf32>, vector<50x1000xf32> -> vector<50x1000xf32>
    %add3A_571 = vector.broadcast %get3A_4 : vector<1x1000xf32> to vector<50x1000xf32>
    %add3A_572 = arith.addf %dot_general3A_570, %add3A_571 : vector<50x1000xf32>
    %swap3A_573 = arith.constant 40 : index
    %swap3A_574 = arith.constant 0 : index
    %swap3A_575 = arith.constant 0 : index
    %swap3A_576 = vector.load %arg5[%swap3A_573, %swap3A_574, %swap3A_575] : memref<64x50x1000xf32, #tpu.memory_space<vmem>>, vector<1x50x1000xf32>
    %swap3A_577 = vector.shape_cast %swap3A_576 : vector<1x50x1000xf32> to vector<50x1000xf32>
    %swap3A_578 = vector.shape_cast %add3A_572 : vector<50x1000xf32> to vector<1x50x1000xf32>
    tpu.vector_store %arg5[%swap3A_573, %swap3A_574, %swap3A_575], %swap3A_578 {strides = array<i32>} : memref<64x50x1000xf32, #tpu.memory_space<vmem>>, vector<1x50x1000xf32>,
    %get3A_579 = arith.constant 2050 : index
    %get3A_580 = arith.constant 0 : index
    %get3A_581 = vector.load %arg1[%get3A_579, %get3A_580] : memref<3200x128xf32, #tpu.memory_space<vmem>>, vector<50x128xf32>
    %add3A_582 = arith.addf %get3A_581, %get3A_7 : vector<50x128xf32>
    %dot_general3A_583 = arith.constant dense<0.000000e+00> : vector<50x1000xf32>
    %dot_general3A_584 = tpu.matmul %add3A_582, %get3A_1, %dot_general3A_583 {dimension_numbers = #tpu.dot_dimension_numbers<[1], [0], [0], [1], [0, 0, 1, 1], [], []>, transpose_lhs_hint = false} : vector<50x128xf32>, vector<128x1000xf32>, vector<50x1000xf32> -> vector<50x1000xf32>
    %add3A_585 = vector.broadcast %get3A_4 : vector<1x1000xf32> to vector<50x1000xf32>
    %add3A_586 = arith.addf %dot_general3A_584, %add3A_585 : vector<50x1000xf32>
    %swap3A_587 = arith.constant 41 : index
    %swap3A_588 = arith.constant 0 : index
    %swap3A_589 = arith.constant 0 : index
    %swap3A_590 = vector.load %arg5[%swap3A_587, %swap3A_588, %swap3A_589] : memref<64x50x1000xf32, #tpu.memory_space<vmem>>, vector<1x50x1000xf32>
    %swap3A_591 = vector.shape_cast %swap3A_590 : vector<1x50x1000xf32> to vector<50x1000xf32>
    %swap3A_592 = vector.shape_cast %add3A_586 : vector<50x1000xf32> to vector<1x50x1000xf32>
    tpu.vector_store %arg5[%swap3A_587, %swap3A_588, %swap3A_589], %swap3A_592 {strides = array<i32>} : memref<64x50x1000xf32, #tpu.memory_space<vmem>>, vector<1x50x1000xf32>,
    %get3A_593 = arith.constant 2100 : index
    %get3A_594 = arith.constant 0 : index
    %get3A_595 = vector.load %arg1[%get3A_593, %get3A_594] : memref<3200x128xf32, #tpu.memory_space<vmem>>, vector<50x128xf32>
    %add3A_596 = arith.addf %get3A_595, %get3A_7 : vector<50x128xf32>
    %dot_general3A_597 = arith.constant dense<0.000000e+00> : vector<50x1000xf32>
    %dot_general3A_598 = tpu.matmul %add3A_596, %get3A_1, %dot_general3A_597 {dimension_numbers = #tpu.dot_dimension_numbers<[1], [0], [0], [1], [0, 0, 1, 1], [], []>, transpose_lhs_hint = false} : vector<50x128xf32>, vector<128x1000xf32>, vector<50x1000xf32> -> vector<50x1000xf32>
    %add3A_599 = vector.broadcast %get3A_4 : vector<1x1000xf32> to vector<50x1000xf32>
    %add3A_600 = arith.addf %dot_general3A_598, %add3A_599 : vector<50x1000xf32>
    %swap3A_601 = arith.constant 42 : index
    %swap3A_602 = arith.constant 0 : index
    %swap3A_603 = arith.constant 0 : index
    %swap3A_604 = vector.load %arg5[%swap3A_601, %swap3A_602, %swap3A_603] : memref<64x50x1000xf32, #tpu.memory_space<vmem>>, vector<1x50x1000xf32>
    %swap3A_605 = vector.shape_cast %swap3A_604 : vector<1x50x1000xf32> to vector<50x1000xf32>
    %swap3A_606 = vector.shape_cast %add3A_600 : vector<50x1000xf32> to vector<1x50x1000xf32>
    tpu.vector_store %arg5[%swap3A_601, %swap3A_602, %swap3A_603], %swap3A_606 {strides = array<i32>} : memref<64x50x1000xf32, #tpu.memory_space<vmem>>, vector<1x50x1000xf32>,
    %get3A_607 = arith.constant 2150 : index
    %get3A_608 = arith.constant 0 : index
    %get3A_609 = vector.load %arg1[%get3A_607, %get3A_608] : memref<3200x128xf32, #tpu.memory_space<vmem>>, vector<50x128xf32>
    %add3A_610 = arith.addf %get3A_609, %get3A_7 : vector<50x128xf32>
    %dot_general3A_611 = arith.constant dense<0.000000e+00> : vector<50x1000xf32>
    %dot_general3A_612 = tpu.matmul %add3A_610, %get3A_1, %dot_general3A_611 {dimension_numbers = #tpu.dot_dimension_numbers<[1], [0], [0], [1], [0, 0, 1, 1], [], []>, transpose_lhs_hint = false} : vector<50x128xf32>, vector<128x1000xf32>, vector<50x1000xf32> -> vector<50x1000xf32>
    %add3A_613 = vector.broadcast %get3A_4 : vector<1x1000xf32> to vector<50x1000xf32>
    %add3A_614 = arith.addf %dot_general3A_612, %add3A_613 : vector<50x1000xf32>
    %swap3A_615 = arith.constant 43 : index
    %swap3A_616 = arith.constant 0 : index
    %swap3A_617 = arith.constant 0 : index
    %swap3A_618 = vector.load %arg5[%swap3A_615, %swap3A_616, %swap3A_617] : memref<64x50x1000xf32, #tpu.memory_space<vmem>>, vector<1x50x1000xf32>
    %swap3A_619 = vector.shape_cast %swap3A_618 : vector<1x50x1000xf32> to vector<50x1000xf32>
    %swap3A_620 = vector.shape_cast %add3A_614 : vector<50x1000xf32> to vector<1x50x1000xf32>
    tpu.vector_store %arg5[%swap3A_615, %swap3A_616, %swap3A_617], %swap3A_620 {strides = array<i32>} : memref<64x50x1000xf32, #tpu.memory_space<vmem>>, vector<1x50x1000xf32>,
    %get3A_621 = arith.constant 2200 : index
    %get3A_622 = arith.constant 0 : index
    %get3A_623 = vector.load %arg1[%get3A_621, %get3A_622] : memref<3200x128xf32, #tpu.memory_space<vmem>>, vector<50x128xf32>
    %add3A_624 = arith.addf %get3A_623, %get3A_7 : vector<50x128xf32>
    %dot_general3A_625 = arith.constant dense<0.000000e+00> : vector<50x1000xf32>
    %dot_general3A_626 = tpu.matmul %add3A_624, %get3A_1, %dot_general3A_625 {dimension_numbers = #tpu.dot_dimension_numbers<[1], [0], [0], [1], [0, 0, 1, 1], [], []>, transpose_lhs_hint = false} : vector<50x128xf32>, vector<128x1000xf32>, vector<50x1000xf32> -> vector<50x1000xf32>
    %add3A_627 = vector.broadcast %get3A_4 : vector<1x1000xf32> to vector<50x1000xf32>
    %add3A_628 = arith.addf %dot_general3A_626, %add3A_627 : vector<50x1000xf32>
    %swap3A_629 = arith.constant 44 : index
    %swap3A_630 = arith.constant 0 : index
    %swap3A_631 = arith.constant 0 : index
    %swap3A_632 = vector.load %arg5[%swap3A_629, %swap3A_630, %swap3A_631] : memref<64x50x1000xf32, #tpu.memory_space<vmem>>, vector<1x50x1000xf32>
    %swap3A_633 = vector.shape_cast %swap3A_632 : vector<1x50x1000xf32> to vector<50x1000xf32>
    %swap3A_634 = vector.shape_cast %add3A_628 : vector<50x1000xf32> to vector<1x50x1000xf32>
    tpu.vector_store %arg5[%swap3A_629, %swap3A_630, %swap3A_631], %swap3A_634 {strides = array<i32>} : memref<64x50x1000xf32, #tpu.memory_space<vmem>>, vector<1x50x1000xf32>,
    %get3A_635 = arith.constant 2250 : index
    %get3A_636 = arith.constant 0 : index
    %get3A_637 = vector.load %arg1[%get3A_635, %get3A_636] : memref<3200x128xf32, #tpu.memory_space<vmem>>, vector<50x128xf32>
    %add3A_638 = arith.addf %get3A_637, %get3A_7 : vector<50x128xf32>
    %dot_general3A_639 = arith.constant dense<0.000000e+00> : vector<50x1000xf32>
    %dot_general3A_640 = tpu.matmul %add3A_638, %get3A_1, %dot_general3A_639 {dimension_numbers = #tpu.dot_dimension_numbers<[1], [0], [0], [1], [0, 0, 1, 1], [], []>, transpose_lhs_hint = false} : vector<50x128xf32>, vector<128x1000xf32>, vector<50x1000xf32> -> vector<50x1000xf32>
    %add3A_641 = vector.broadcast %get3A_4 : vector<1x1000xf32> to vector<50x1000xf32>
    %add3A_642 = arith.addf %dot_general3A_640, %add3A_641 : vector<50x1000xf32>
    %swap3A_643 = arith.constant 45 : index
    %swap3A_644 = arith.constant 0 : index
    %swap3A_645 = arith.constant 0 : index
    %swap3A_646 = vector.load %arg5[%swap3A_643, %swap3A_644, %swap3A_645] : memref<64x50x1000xf32, #tpu.memory_space<vmem>>, vector<1x50x1000xf32>
    %swap3A_647 = vector.shape_cast %swap3A_646 : vector<1x50x1000xf32> to vector<50x1000xf32>
    %swap3A_648 = vector.shape_cast %add3A_642 : vector<50x1000xf32> to vector<1x50x1000xf32>
    tpu.vector_store %arg5[%swap3A_643, %swap3A_644, %swap3A_645], %swap3A_648 {strides = array<i32>} : memref<64x50x1000xf32, #tpu.memory_space<vmem>>, vector<1x50x1000xf32>,
    %get3A_649 = arith.constant 2300 : index
    %get3A_650 = arith.constant 0 : index
    %get3A_651 = vector.load %arg1[%get3A_649, %get3A_650] : memref<3200x128xf32, #tpu.memory_space<vmem>>, vector<50x128xf32>
    %add3A_652 = arith.addf %get3A_651, %get3A_7 : vector<50x128xf32>
    %dot_general3A_653 = arith.constant dense<0.000000e+00> : vector<50x1000xf32>
    %dot_general3A_654 = tpu.matmul %add3A_652, %get3A_1, %dot_general3A_653 {dimension_numbers = #tpu.dot_dimension_numbers<[1], [0], [0], [1], [0, 0, 1, 1], [], []>, transpose_lhs_hint = false} : vector<50x128xf32>, vector<128x1000xf32>, vector<50x1000xf32> -> vector<50x1000xf32>
    %add3A_655 = vector.broadcast %get3A_4 : vector<1x1000xf32> to vector<50x1000xf32>
    %add3A_656 = arith.addf %dot_general3A_654, %add3A_655 : vector<50x1000xf32>
    %swap3A_657 = arith.constant 46 : index
    %swap3A_658 = arith.constant 0 : index
    %swap3A_659 = arith.constant 0 : index
    %swap3A_660 = vector.load %arg5[%swap3A_657, %swap3A_658, %swap3A_659] : memref<64x50x1000xf32, #tpu.memory_space<vmem>>, vector<1x50x1000xf32>
    %swap3A_661 = vector.shape_cast %swap3A_660 : vector<1x50x1000xf32> to vector<50x1000xf32>
    %swap3A_662 = vector.shape_cast %add3A_656 : vector<50x1000xf32> to vector<1x50x1000xf32>
    tpu.vector_store %arg5[%swap3A_657, %swap3A_658, %swap3A_659], %swap3A_662 {strides = array<i32>} : memref<64x50x1000xf32, #tpu.memory_space<vmem>>, vector<1x50x1000xf32>,
    %get3A_663 = arith.constant 2350 : index
    %get3A_664 = arith.constant 0 : index
    %get3A_665 = vector.load %arg1[%get3A_663, %get3A_664] : memref<3200x128xf32, #tpu.memory_space<vmem>>, vector<50x128xf32>
    %add3A_666 = arith.addf %get3A_665, %get3A_7 : vector<50x128xf32>
    %dot_general3A_667 = arith.constant dense<0.000000e+00> : vector<50x1000xf32>
    %dot_general3A_668 = tpu.matmul %add3A_666, %get3A_1, %dot_general3A_667 {dimension_numbers = #tpu.dot_dimension_numbers<[1], [0], [0], [1], [0, 0, 1, 1], [], []>, transpose_lhs_hint = false} : vector<50x128xf32>, vector<128x1000xf32>, vector<50x1000xf32> -> vector<50x1000xf32>
    %add3A_669 = vector.broadcast %get3A_4 : vector<1x1000xf32> to vector<50x1000xf32>
    %add3A_670 = arith.addf %dot_general3A_668, %add3A_669 : vector<50x1000xf32>
    %swap3A_671 = arith.constant 47 : index
    %swap3A_672 = arith.constant 0 : index
    %swap3A_673 = arith.constant 0 : index
    %swap3A_674 = vector.load %arg5[%swap3A_671, %swap3A_672, %swap3A_673] : memref<64x50x1000xf32, #tpu.memory_space<vmem>>, vector<1x50x1000xf32>
    %swap3A_675 = vector.shape_cast %swap3A_674 : vector<1x50x1000xf32> to vector<50x1000xf32>
    %swap3A_676 = vector.shape_cast %add3A_670 : vector<50x1000xf32> to vector<1x50x1000xf32>
    tpu.vector_store %arg5[%swap3A_671, %swap3A_672, %swap3A_673], %swap3A_676 {strides = array<i32>} : memref<64x50x1000xf32, #tpu.memory_space<vmem>>, vector<1x50x1000xf32>,
    %get3A_677 = arith.constant 2400 : index
    %get3A_678 = arith.constant 0 : index
    %get3A_679 = vector.load %arg1[%get3A_677, %get3A_678] : memref<3200x128xf32, #tpu.memory_space<vmem>>, vector<50x128xf32>
    %add3A_680 = arith.addf %get3A_679, %get3A_7 : vector<50x128xf32>
    %dot_general3A_681 = arith.constant dense<0.000000e+00> : vector<50x1000xf32>
    %dot_general3A_682 = tpu.matmul %add3A_680, %get3A_1, %dot_general3A_681 {dimension_numbers = #tpu.dot_dimension_numbers<[1], [0], [0], [1], [0, 0, 1, 1], [], []>, transpose_lhs_hint = false} : vector<50x128xf32>, vector<128x1000xf32>, vector<50x1000xf32> -> vector<50x1000xf32>
    %add3A_683 = vector.broadcast %get3A_4 : vector<1x1000xf32> to vector<50x1000xf32>
    %add3A_684 = arith.addf %dot_general3A_682, %add3A_683 : vector<50x1000xf32>
    %swap3A_685 = arith.constant 48 : index
    %swap3A_686 = arith.constant 0 : index
    %swap3A_687 = arith.constant 0 : index
    %swap3A_688 = vector.load %arg5[%swap3A_685, %swap3A_686, %swap3A_687] : memref<64x50x1000xf32, #tpu.memory_space<vmem>>, vector<1x50x1000xf32>
    %swap3A_689 = vector.shape_cast %swap3A_688 : vector<1x50x1000xf32> to vector<50x1000xf32>
    %swap3A_690 = vector.shape_cast %add3A_684 : vector<50x1000xf32> to vector<1x50x1000xf32>
    tpu.vector_store %arg5[%swap3A_685, %swap3A_686, %swap3A_687], %swap3A_690 {strides = array<i32>} : memref<64x50x1000xf32, #tpu.memory_space<vmem>>, vector<1x50x1000xf32>,
    %get3A_691 = arith.constant 2450 : index
    %get3A_692 = arith.constant 0 : index
    %get3A_693 = vector.load %arg1[%get3A_691, %get3A_692] : memref<3200x128xf32, #tpu.memory_space<vmem>>, vector<50x128xf32>
    %add3A_694 = arith.addf %get3A_693, %get3A_7 : vector<50x128xf32>
    %dot_general3A_695 = arith.constant dense<0.000000e+00> : vector<50x1000xf32>
    %dot_general3A_696 = tpu.matmul %add3A_694, %get3A_1, %dot_general3A_695 {dimension_numbers = #tpu.dot_dimension_numbers<[1], [0], [0], [1], [0, 0, 1, 1], [], []>, transpose_lhs_hint = false} : vector<50x128xf32>, vector<128x1000xf32>, vector<50x1000xf32> -> vector<50x1000xf32>
    %add3A_697 = vector.broadcast %get3A_4 : vector<1x1000xf32> to vector<50x1000xf32>
    %add3A_698 = arith.addf %dot_general3A_696, %add3A_697 : vector<50x1000xf32>
    %swap3A_699 = arith.constant 49 : index
    %swap3A_700 = arith.constant 0 : index
    %swap3A_701 = arith.constant 0 : index
    %swap3A_702 = vector.load %arg5[%swap3A_699, %swap3A_700, %swap3A_701] : memref<64x50x1000xf32, #tpu.memory_space<vmem>>, vector<1x50x1000xf32>
    %swap3A_703 = vector.shape_cast %swap3A_702 : vector<1x50x1000xf32> to vector<50x1000xf32>
    %swap3A_704 = vector.shape_cast %add3A_698 : vector<50x1000xf32> to vector<1x50x1000xf32>
    tpu.vector_store %arg5[%swap3A_699, %swap3A_700, %swap3A_701], %swap3A_704 {strides = array<i32>} : memref<64x50x1000xf32, #tpu.memory_space<vmem>>, vector<1x50x1000xf32>,
    %get3A_705 = arith.constant 2500 : index
    %get3A_706 = arith.constant 0 : index
    %get3A_707 = vector.load %arg1[%get3A_705, %get3A_706] : memref<3200x128xf32, #tpu.memory_space<vmem>>, vector<50x128xf32>
    %add3A_708 = arith.addf %get3A_707, %get3A_7 : vector<50x128xf32>
    %dot_general3A_709 = arith.constant dense<0.000000e+00> : vector<50x1000xf32>
    %dot_general3A_710 = tpu.matmul %add3A_708, %get3A_1, %dot_general3A_709 {dimension_numbers = #tpu.dot_dimension_numbers<[1], [0], [0], [1], [0, 0, 1, 1], [], []>, transpose_lhs_hint = false} : vector<50x128xf32>, vector<128x1000xf32>, vector<50x1000xf32> -> vector<50x1000xf32>
    %add3A_711 = vector.broadcast %get3A_4 : vector<1x1000xf32> to vector<50x1000xf32>
    %add3A_712 = arith.addf %dot_general3A_710, %add3A_711 : vector<50x1000xf32>
    %swap3A_713 = arith.constant 50 : index
    %swap3A_714 = arith.constant 0 : index
    %swap3A_715 = arith.constant 0 : index
    %swap3A_716 = vector.load %arg5[%swap3A_713, %swap3A_714, %swap3A_715] : memref<64x50x1000xf32, #tpu.memory_space<vmem>>, vector<1x50x1000xf32>
    %swap3A_717 = vector.shape_cast %swap3A_716 : vector<1x50x1000xf32> to vector<50x1000xf32>
    %swap3A_718 = vector.shape_cast %add3A_712 : vector<50x1000xf32> to vector<1x50x1000xf32>
    tpu.vector_store %arg5[%swap3A_713, %swap3A_714, %swap3A_715], %swap3A_718 {strides = array<i32>} : memref<64x50x1000xf32, #tpu.memory_space<vmem>>, vector<1x50x1000xf32>,
    %get3A_719 = arith.constant 2550 : index
    %get3A_720 = arith.constant 0 : index
    %get3A_721 = vector.load %arg1[%get3A_719, %get3A_720] : memref<3200x128xf32, #tpu.memory_space<vmem>>, vector<50x128xf32>
    %add3A_722 = arith.addf %get3A_721, %get3A_7 : vector<50x128xf32>
    %dot_general3A_723 = arith.constant dense<0.000000e+00> : vector<50x1000xf32>
    %dot_general3A_724 = tpu.matmul %add3A_722, %get3A_1, %dot_general3A_723 {dimension_numbers = #tpu.dot_dimension_numbers<[1], [0], [0], [1], [0, 0, 1, 1], [], []>, transpose_lhs_hint = false} : vector<50x128xf32>, vector<128x1000xf32>, vector<50x1000xf32> -> vector<50x1000xf32>
    %add3A_725 = vector.broadcast %get3A_4 : vector<1x1000xf32> to vector<50x1000xf32>
    %add3A_726 = arith.addf %dot_general3A_724, %add3A_725 : vector<50x1000xf32>
    %swap3A_727 = arith.constant 51 : index
    %swap3A_728 = arith.constant 0 : index
    %swap3A_729 = arith.constant 0 : index
    %swap3A_730 = vector.load %arg5[%swap3A_727, %swap3A_728, %swap3A_729] : memref<64x50x1000xf32, #tpu.memory_space<vmem>>, vector<1x50x1000xf32>
    %swap3A_731 = vector.shape_cast %swap3A_730 : vector<1x50x1000xf32> to vector<50x1000xf32>
    %swap3A_732 = vector.shape_cast %add3A_726 : vector<50x1000xf32> to vector<1x50x1000xf32>
    tpu.vector_store %arg5[%swap3A_727, %swap3A_728, %swap3A_729], %swap3A_732 {strides = array<i32>} : memref<64x50x1000xf32, #tpu.memory_space<vmem>>, vector<1x50x1000xf32>,
    %get3A_733 = arith.constant 2600 : index
    %get3A_734 = arith.constant 0 : index
    %get3A_735 = vector.load %arg1[%get3A_733, %get3A_734] : memref<3200x128xf32, #tpu.memory_space<vmem>>, vector<50x128xf32>
    %add3A_736 = arith.addf %get3A_735, %get3A_7 : vector<50x128xf32>
    %dot_general3A_737 = arith.constant dense<0.000000e+00> : vector<50x1000xf32>
    %dot_general3A_738 = tpu.matmul %add3A_736, %get3A_1, %dot_general3A_737 {dimension_numbers = #tpu.dot_dimension_numbers<[1], [0], [0], [1], [0, 0, 1, 1], [], []>, transpose_lhs_hint = false} : vector<50x128xf32>, vector<128x1000xf32>, vector<50x1000xf32> -> vector<50x1000xf32>
    %add3A_739 = vector.broadcast %get3A_4 : vector<1x1000xf32> to vector<50x1000xf32>
    %add3A_740 = arith.addf %dot_general3A_738, %add3A_739 : vector<50x1000xf32>
    %swap3A_741 = arith.constant 52 : index
    %swap3A_742 = arith.constant 0 : index
    %swap3A_743 = arith.constant 0 : index
    %swap3A_744 = vector.load %arg5[%swap3A_741, %swap3A_742, %swap3A_743] : memref<64x50x1000xf32, #tpu.memory_space<vmem>>, vector<1x50x1000xf32>
    %swap3A_745 = vector.shape_cast %swap3A_744 : vector<1x50x1000xf32> to vector<50x1000xf32>
    %swap3A_746 = vector.shape_cast %add3A_740 : vector<50x1000xf32> to vector<1x50x1000xf32>
    tpu.vector_store %arg5[%swap3A_741, %swap3A_742, %swap3A_743], %swap3A_746 {strides = array<i32>} : memref<64x50x1000xf32, #tpu.memory_space<vmem>>, vector<1x50x1000xf32>,
    %get3A_747 = arith.constant 2650 : index
    %get3A_748 = arith.constant 0 : index
    %get3A_749 = vector.load %arg1[%get3A_747, %get3A_748] : memref<3200x128xf32, #tpu.memory_space<vmem>>, vector<50x128xf32>
    %add3A_750 = arith.addf %get3A_749, %get3A_7 : vector<50x128xf32>
    %dot_general3A_751 = arith.constant dense<0.000000e+00> : vector<50x1000xf32>
    %dot_general3A_752 = tpu.matmul %add3A_750, %get3A_1, %dot_general3A_751 {dimension_numbers = #tpu.dot_dimension_numbers<[1], [0], [0], [1], [0, 0, 1, 1], [], []>, transpose_lhs_hint = false} : vector<50x128xf32>, vector<128x1000xf32>, vector<50x1000xf32> -> vector<50x1000xf32>
    %add3A_753 = vector.broadcast %get3A_4 : vector<1x1000xf32> to vector<50x1000xf32>
    %add3A_754 = arith.addf %dot_general3A_752, %add3A_753 : vector<50x1000xf32>
    %swap3A_755 = arith.constant 53 : index
    %swap3A_756 = arith.constant 0 : index
    %swap3A_757 = arith.constant 0 : index
    %swap3A_758 = vector.load %arg5[%swap3A_755, %swap3A_756, %swap3A_757] : memref<64x50x1000xf32, #tpu.memory_space<vmem>>, vector<1x50x1000xf32>
    %swap3A_759 = vector.shape_cast %swap3A_758 : vector<1x50x1000xf32> to vector<50x1000xf32>
    %swap3A_760 = vector.shape_cast %add3A_754 : vector<50x1000xf32> to vector<1x50x1000xf32>
    tpu.vector_store %arg5[%swap3A_755, %swap3A_756, %swap3A_757], %swap3A_760 {strides = array<i32>} : memref<64x50x1000xf32, #tpu.memory_space<vmem>>, vector<1x50x1000xf32>,
    %get3A_761 = arith.constant 2700 : index
    %get3A_762 = arith.constant 0 : index
    %get3A_763 = vector.load %arg1[%get3A_761, %get3A_762] : memref<3200x128xf32, #tpu.memory_space<vmem>>, vector<50x128xf32>
    %add3A_764 = arith.addf %get3A_763, %get3A_7 : vector<50x128xf32>
    %dot_general3A_765 = arith.constant dense<0.000000e+00> : vector<50x1000xf32>
    %dot_general3A_766 = tpu.matmul %add3A_764, %get3A_1, %dot_general3A_765 {dimension_numbers = #tpu.dot_dimension_numbers<[1], [0], [0], [1], [0, 0, 1, 1], [], []>, transpose_lhs_hint = false} : vector<50x128xf32>, vector<128x1000xf32>, vector<50x1000xf32> -> vector<50x1000xf32>
    %add3A_767 = vector.broadcast %get3A_4 : vector<1x1000xf32> to vector<50x1000xf32>
    %add3A_768 = arith.addf %dot_general3A_766, %add3A_767 : vector<50x1000xf32>
    %swap3A_769 = arith.constant 54 : index
    %swap3A_770 = arith.constant 0 : index
    %swap3A_771 = arith.constant 0 : index
    %swap3A_772 = vector.load %arg5[%swap3A_769, %swap3A_770, %swap3A_771] : memref<64x50x1000xf32, #tpu.memory_space<vmem>>, vector<1x50x1000xf32>
    %swap3A_773 = vector.shape_cast %swap3A_772 : vector<1x50x1000xf32> to vector<50x1000xf32>
    %swap3A_774 = vector.shape_cast %add3A_768 : vector<50x1000xf32> to vector<1x50x1000xf32>
    tpu.vector_store %arg5[%swap3A_769, %swap3A_770, %swap3A_771], %swap3A_774 {strides = array<i32>} : memref<64x50x1000xf32, #tpu.memory_space<vmem>>, vector<1x50x1000xf32>,
    %get3A_775 = arith.constant 2750 : index
    %get3A_776 = arith.constant 0 : index
    %get3A_777 = vector.load %arg1[%get3A_775, %get3A_776] : memref<3200x128xf32, #tpu.memory_space<vmem>>, vector<50x128xf32>
    %add3A_778 = arith.addf %get3A_777, %get3A_7 : vector<50x128xf32>
    %dot_general3A_779 = arith.constant dense<0.000000e+00> : vector<50x1000xf32>
    %dot_general3A_780 = tpu.matmul %add3A_778, %get3A_1, %dot_general3A_779 {dimension_numbers = #tpu.dot_dimension_numbers<[1], [0], [0], [1], [0, 0, 1, 1], [], []>, transpose_lhs_hint = false} : vector<50x128xf32>, vector<128x1000xf32>, vector<50x1000xf32> -> vector<50x1000xf32>
    %add3A_781 = vector.broadcast %get3A_4 : vector<1x1000xf32> to vector<50x1000xf32>
    %add3A_782 = arith.addf %dot_general3A_780, %add3A_781 : vector<50x1000xf32>
    %swap3A_783 = arith.constant 55 : index
    %swap3A_784 = arith.constant 0 : index
    %swap3A_785 = arith.constant 0 : index
    %swap3A_786 = vector.load %arg5[%swap3A_783, %swap3A_784, %swap3A_785] : memref<64x50x1000xf32, #tpu.memory_space<vmem>>, vector<1x50x1000xf32>
    %swap3A_787 = vector.shape_cast %swap3A_786 : vector<1x50x1000xf32> to vector<50x1000xf32>
    %swap3A_788 = vector.shape_cast %add3A_782 : vector<50x1000xf32> to vector<1x50x1000xf32>
    tpu.vector_store %arg5[%swap3A_783, %swap3A_784, %swap3A_785], %swap3A_788 {strides = array<i32>} : memref<64x50x1000xf32, #tpu.memory_space<vmem>>, vector<1x50x1000xf32>,
    %get3A_789 = arith.constant 2800 : index
    %get3A_790 = arith.constant 0 : index
    %get3A_791 = vector.load %arg1[%get3A_789, %get3A_790] : memref<3200x128xf32, #tpu.memory_space<vmem>>, vector<50x128xf32>
    %add3A_792 = arith.addf %get3A_791, %get3A_7 : vector<50x128xf32>
    %dot_general3A_793 = arith.constant dense<0.000000e+00> : vector<50x1000xf32>
    %dot_general3A_794 = tpu.matmul %add3A_792, %get3A_1, %dot_general3A_793 {dimension_numbers = #tpu.dot_dimension_numbers<[1], [0], [0], [1], [0, 0, 1, 1], [], []>, transpose_lhs_hint = false} : vector<50x128xf32>, vector<128x1000xf32>, vector<50x1000xf32> -> vector<50x1000xf32>
    %add3A_795 = vector.broadcast %get3A_4 : vector<1x1000xf32> to vector<50x1000xf32>
    %add3A_796 = arith.addf %dot_general3A_794, %add3A_795 : vector<50x1000xf32>
    %swap3A_797 = arith.constant 56 : index
    %swap3A_798 = arith.constant 0 : index
    %swap3A_799 = arith.constant 0 : index
    %swap3A_800 = vector.load %arg5[%swap3A_797, %swap3A_798, %swap3A_799] : memref<64x50x1000xf32, #tpu.memory_space<vmem>>, vector<1x50x1000xf32>
    %swap3A_801 = vector.shape_cast %swap3A_800 : vector<1x50x1000xf32> to vector<50x1000xf32>
    %swap3A_802 = vector.shape_cast %add3A_796 : vector<50x1000xf32> to vector<1x50x1000xf32>
    tpu.vector_store %arg5[%swap3A_797, %swap3A_798, %swap3A_799], %swap3A_802 {strides = array<i32>} : memref<64x50x1000xf32, #tpu.memory_space<vmem>>, vector<1x50x1000xf32>,
    %get3A_803 = arith.constant 2850 : index
    %get3A_804 = arith.constant 0 : index
    %get3A_805 = vector.load %arg1[%get3A_803, %get3A_804] : memref<3200x128xf32, #tpu.memory_space<vmem>>, vector<50x128xf32>
    %add3A_806 = arith.addf %get3A_805, %get3A_7 : vector<50x128xf32>
    %dot_general3A_807 = arith.constant dense<0.000000e+00> : vector<50x1000xf32>
    %dot_general3A_808 = tpu.matmul %add3A_806, %get3A_1, %dot_general3A_807 {dimension_numbers = #tpu.dot_dimension_numbers<[1], [0], [0], [1], [0, 0, 1, 1], [], []>, transpose_lhs_hint = false} : vector<50x128xf32>, vector<128x1000xf32>, vector<50x1000xf32> -> vector<50x1000xf32>
    %add3A_809 = vector.broadcast %get3A_4 : vector<1x1000xf32> to vector<50x1000xf32>
    %add3A_810 = arith.addf %dot_general3A_808, %add3A_809 : vector<50x1000xf32>
    %swap3A_811 = arith.constant 57 : index
    %swap3A_812 = arith.constant 0 : index
    %swap3A_813 = arith.constant 0 : index
    %swap3A_814 = vector.load %arg5[%swap3A_811, %swap3A_812, %swap3A_813] : memref<64x50x1000xf32, #tpu.memory_space<vmem>>, vector<1x50x1000xf32>
    %swap3A_815 = vector.shape_cast %swap3A_814 : vector<1x50x1000xf32> to vector<50x1000xf32>
    %swap3A_816 = vector.shape_cast %add3A_810 : vector<50x1000xf32> to vector<1x50x1000xf32>
    tpu.vector_store %arg5[%swap3A_811, %swap3A_812, %swap3A_813], %swap3A_816 {strides = array<i32>} : memref<64x50x1000xf32, #tpu.memory_space<vmem>>, vector<1x50x1000xf32>,
    %get3A_817 = arith.constant 2900 : index
    %get3A_818 = arith.constant 0 : index
    %get3A_819 = vector.load %arg1[%get3A_817, %get3A_818] : memref<3200x128xf32, #tpu.memory_space<vmem>>, vector<50x128xf32>
    %add3A_820 = arith.addf %get3A_819, %get3A_7 : vector<50x128xf32>
    %dot_general3A_821 = arith.constant dense<0.000000e+00> : vector<50x1000xf32>
    %dot_general3A_822 = tpu.matmul %add3A_820, %get3A_1, %dot_general3A_821 {dimension_numbers = #tpu.dot_dimension_numbers<[1], [0], [0], [1], [0, 0, 1, 1], [], []>, transpose_lhs_hint = false} : vector<50x128xf32>, vector<128x1000xf32>, vector<50x1000xf32> -> vector<50x1000xf32>
    %add3A_823 = vector.broadcast %get3A_4 : vector<1x1000xf32> to vector<50x1000xf32>
    %add3A_824 = arith.addf %dot_general3A_822, %add3A_823 : vector<50x1000xf32>
    %swap3A_825 = arith.constant 58 : index
    %swap3A_826 = arith.constant 0 : index
    %swap3A_827 = arith.constant 0 : index
    %swap3A_828 = vector.load %arg5[%swap3A_825, %swap3A_826, %swap3A_827] : memref<64x50x1000xf32, #tpu.memory_space<vmem>>, vector<1x50x1000xf32>
    %swap3A_829 = vector.shape_cast %swap3A_828 : vector<1x50x1000xf32> to vector<50x1000xf32>
    %swap3A_830 = vector.shape_cast %add3A_824 : vector<50x1000xf32> to vector<1x50x1000xf32>
    tpu.vector_store %arg5[%swap3A_825, %swap3A_826, %swap3A_827], %swap3A_830 {strides = array<i32>} : memref<64x50x1000xf32, #tpu.memory_space<vmem>>, vector<1x50x1000xf32>,
    %get3A_831 = arith.constant 2950 : index
    %get3A_832 = arith.constant 0 : index
    %get3A_833 = vector.load %arg1[%get3A_831, %get3A_832] : memref<3200x128xf32, #tpu.memory_space<vmem>>, vector<50x128xf32>
    %add3A_834 = arith.addf %get3A_833, %get3A_7 : vector<50x128xf32>
    %dot_general3A_835 = arith.constant dense<0.000000e+00> : vector<50x1000xf32>
    %dot_general3A_836 = tpu.matmul %add3A_834, %get3A_1, %dot_general3A_835 {dimension_numbers = #tpu.dot_dimension_numbers<[1], [0], [0], [1], [0, 0, 1, 1], [], []>, transpose_lhs_hint = false} : vector<50x128xf32>, vector<128x1000xf32>, vector<50x1000xf32> -> vector<50x1000xf32>
    %add3A_837 = vector.broadcast %get3A_4 : vector<1x1000xf32> to vector<50x1000xf32>
    %add3A_838 = arith.addf %dot_general3A_836, %add3A_837 : vector<50x1000xf32>
    %swap3A_839 = arith.constant 59 : index
    %swap3A_840 = arith.constant 0 : index
    %swap3A_841 = arith.constant 0 : index
    %swap3A_842 = vector.load %arg5[%swap3A_839, %swap3A_840, %swap3A_841] : memref<64x50x1000xf32, #tpu.memory_space<vmem>>, vector<1x50x1000xf32>
    %swap3A_843 = vector.shape_cast %swap3A_842 : vector<1x50x1000xf32> to vector<50x1000xf32>
    %swap3A_844 = vector.shape_cast %add3A_838 : vector<50x1000xf32> to vector<1x50x1000xf32>
    tpu.vector_store %arg5[%swap3A_839, %swap3A_840, %swap3A_841], %swap3A_844 {strides = array<i32>} : memref<64x50x1000xf32, #tpu.memory_space<vmem>>, vector<1x50x1000xf32>,
    %get3A_845 = arith.constant 3000 : index
    %get3A_846 = arith.constant 0 : index
    %get3A_847 = vector.load %arg1[%get3A_845, %get3A_846] : memref<3200x128xf32, #tpu.memory_space<vmem>>, vector<50x128xf32>
    %add3A_848 = arith.addf %get3A_847, %get3A_7 : vector<50x128xf32>
    %dot_general3A_849 = arith.constant dense<0.000000e+00> : vector<50x1000xf32>
    %dot_general3A_850 = tpu.matmul %add3A_848, %get3A_1, %dot_general3A_849 {dimension_numbers = #tpu.dot_dimension_numbers<[1], [0], [0], [1], [0, 0, 1, 1], [], []>, transpose_lhs_hint = false} : vector<50x128xf32>, vector<128x1000xf32>, vector<50x1000xf32> -> vector<50x1000xf32>
    %add3A_851 = vector.broadcast %get3A_4 : vector<1x1000xf32> to vector<50x1000xf32>
    %add3A_852 = arith.addf %dot_general3A_850, %add3A_851 : vector<50x1000xf32>
    %swap3A_853 = arith.constant 60 : index
    %swap3A_854 = arith.constant 0 : index
    %swap3A_855 = arith.constant 0 : index
    %swap3A_856 = vector.load %arg5[%swap3A_853, %swap3A_854, %swap3A_855] : memref<64x50x1000xf32, #tpu.memory_space<vmem>>, vector<1x50x1000xf32>
    %swap3A_857 = vector.shape_cast %swap3A_856 : vector<1x50x1000xf32> to vector<50x1000xf32>
    %swap3A_858 = vector.shape_cast %add3A_852 : vector<50x1000xf32> to vector<1x50x1000xf32>
    tpu.vector_store %arg5[%swap3A_853, %swap3A_854, %swap3A_855], %swap3A_858 {strides = array<i32>} : memref<64x50x1000xf32, #tpu.memory_space<vmem>>, vector<1x50x1000xf32>,
    %get3A_859 = arith.constant 3050 : index
    %get3A_860 = arith.constant 0 : index
    %get3A_861 = vector.load %arg1[%get3A_859, %get3A_860] : memref<3200x128xf32, #tpu.memory_space<vmem>>, vector<50x128xf32>
    %add3A_862 = arith.addf %get3A_861, %get3A_7 : vector<50x128xf32>
    %dot_general3A_863 = arith.constant dense<0.000000e+00> : vector<50x1000xf32>
    %dot_general3A_864 = tpu.matmul %add3A_862, %get3A_1, %dot_general3A_863 {dimension_numbers = #tpu.dot_dimension_numbers<[1], [0], [0], [1], [0, 0, 1, 1], [], []>, transpose_lhs_hint = false} : vector<50x128xf32>, vector<128x1000xf32>, vector<50x1000xf32> -> vector<50x1000xf32>
    %add3A_865 = vector.broadcast %get3A_4 : vector<1x1000xf32> to vector<50x1000xf32>
    %add3A_866 = arith.addf %dot_general3A_864, %add3A_865 : vector<50x1000xf32>
    %swap3A_867 = arith.constant 61 : index
    %swap3A_868 = arith.constant 0 : index
    %swap3A_869 = arith.constant 0 : index
    %swap3A_870 = vector.load %arg5[%swap3A_867, %swap3A_868, %swap3A_869] : memref<64x50x1000xf32, #tpu.memory_space<vmem>>, vector<1x50x1000xf32>
    %swap3A_871 = vector.shape_cast %swap3A_870 : vector<1x50x1000xf32> to vector<50x1000xf32>
    %swap3A_872 = vector.shape_cast %add3A_866 : vector<50x1000xf32> to vector<1x50x1000xf32>
    tpu.vector_store %arg5[%swap3A_867, %swap3A_868, %swap3A_869], %swap3A_872 {strides = array<i32>} : memref<64x50x1000xf32, #tpu.memory_space<vmem>>, vector<1x50x1000xf32>,
    %get3A_873 = arith.constant 3100 : index
    %get3A_874 = arith.constant 0 : index
    %get3A_875 = vector.load %arg1[%get3A_873, %get3A_874] : memref<3200x128xf32, #tpu.memory_space<vmem>>, vector<50x128xf32>
    %add3A_876 = arith.addf %get3A_875, %get3A_7 : vector<50x128xf32>
    %dot_general3A_877 = arith.constant dense<0.000000e+00> : vector<50x1000xf32>
    %dot_general3A_878 = tpu.matmul %add3A_876, %get3A_1, %dot_general3A_877 {dimension_numbers = #tpu.dot_dimension_numbers<[1], [0], [0], [1], [0, 0, 1, 1], [], []>, transpose_lhs_hint = false} : vector<50x128xf32>, vector<128x1000xf32>, vector<50x1000xf32> -> vector<50x1000xf32>
    %add3A_879 = vector.broadcast %get3A_4 : vector<1x1000xf32> to vector<50x1000xf32>
    %add3A_880 = arith.addf %dot_general3A_878, %add3A_879 : vector<50x1000xf32>
    %swap3A_881 = arith.constant 62 : index
    %swap3A_882 = arith.constant 0 : index
    %swap3A_883 = arith.constant 0 : index
    %swap3A_884 = vector.load %arg5[%swap3A_881, %swap3A_882, %swap3A_883] : memref<64x50x1000xf32, #tpu.memory_space<vmem>>, vector<1x50x1000xf32>
    %swap3A_885 = vector.shape_cast %swap3A_884 : vector<1x50x1000xf32> to vector<50x1000xf32>
    %swap3A_886 = vector.shape_cast %add3A_880 : vector<50x1000xf32> to vector<1x50x1000xf32>
    tpu.vector_store %arg5[%swap3A_881, %swap3A_882, %swap3A_883], %swap3A_886 {strides = array<i32>} : memref<64x50x1000xf32, #tpu.memory_space<vmem>>, vector<1x50x1000xf32>,
    %get3A_887 = arith.constant 3150 : index
    %get3A_888 = arith.constant 0 : index
    %get3A_889 = vector.load %arg1[%get3A_887, %get3A_888] : memref<3200x128xf32, #tpu.memory_space<vmem>>, vector<50x128xf32>
    %add3A_890 = arith.addf %get3A_889, %get3A_7 : vector<50x128xf32>
    %dot_general3A_891 = arith.constant dense<0.000000e+00> : vector<50x1000xf32>
    %dot_general3A_892 = tpu.matmul %add3A_890, %get3A_1, %dot_general3A_891 {dimension_numbers = #tpu.dot_dimension_numbers<[1], [0], [0], [1], [0, 0, 1, 1], [], []>, transpose_lhs_hint = false} : vector<50x128xf32>, vector<128x1000xf32>, vector<50x1000xf32> -> vector<50x1000xf32>
    %add3A_893 = vector.broadcast %get3A_4 : vector<1x1000xf32> to vector<50x1000xf32>
    %add3A_894 = arith.addf %dot_general3A_892, %add3A_893 : vector<50x1000xf32>
    %swap3A_895 = arith.constant 63 : index
    %swap3A_896 = arith.constant 0 : index
    %swap3A_897 = arith.constant 0 : index
    %swap3A_898 = vector.load %arg5[%swap3A_895, %swap3A_896, %swap3A_897] : memref<64x50x1000xf32, #tpu.memory_space<vmem>>, vector<1x50x1000xf32>
    %swap3A_899 = vector.shape_cast %swap3A_898 : vector<1x50x1000xf32> to vector<50x1000xf32>
    %swap3A_900 = vector.shape_cast %add3A_894 : vector<50x1000xf32> to vector<1x50x1000xf32>
    tpu.vector_store %arg5[%swap3A_895, %swap3A_896, %swap3A_897], %swap3A_900 {strides = array<i32>} : memref<64x50x1000xf32, #tpu.memory_space<vmem>>, vector<1x50x1000xf32>,
    return
  }
  func.func @transform_0(%arg0: i32) -> (i32, i32) {
    %c0_i32 = arith.constant 0 : i32
    %c0_i32_0 = arith.constant 0 : i32
    return %arg0, %c0_i32 : i32, i32
  }
  func.func @transform_1(%arg0: i32) -> (i32, i32) {
    %c0_i32 = arith.constant 0 : i32
    %c0_i32_0 = arith.constant 0 : i32
    %c0_i32_1 = arith.constant 0 : i32
    return %c0_i32, %c0_i32_0 : i32, i32
  }
  func.func @transform_2(%arg0: i32) -> (i32, i32) {
    %c0_i32 = arith.constant 0 : i32
    %c0_i32_0 = arith.constant 0 : i32
    %c0_i32_1 = arith.constant 0 : i32
    return %c0_i32, %c0_i32_0 : i32, i32
  }
  func.func @transform_3(%arg0: i32) -> (i32, i32) {
    %c0_i32 = arith.constant 0 : i32
    %c0_i32_0 = arith.constant 0 : i32
    %c0_i32_1 = arith.constant 0 : i32
    return %c0_i32, %c0_i32_0 : i32, i32
  }
  func.func @transform_4(%arg0: i32) -> (i32, i32, i32) {
    %c0_i32 = arith.constant 0 : i32
    %c0_i32_0 = arith.constant 0 : i32
    %c0_i32_1 = arith.constant 0 : i32
    return %arg0, %c0_i32, %c0_i32_0 : i32, i32, i32
  }
}

</mosaic_0001>

<sc_bundles>
// kernel: kernel.4.cloned.1.call-start
scs
__scs_entry_jumppad:
0x0: {  	(pc) =	sbr.rel $0x88, $3  }
0x1: {  	(tag) =	ssettag $0x0;
	lr =	simm.s32 $0x1  }
0x2: {  	[smem:$0x3F9C] =	sst lr;
	_ =	strace $0xD0000000  }
0x3: {  	_ = 	snop  }
0x4: {  	_ = 	snop  }
0x5: {  	_ = 	snop  }
0x6: {  	_ = 	snop  }
0x7: {  	_ = 	snop  }
__scs_overlays_trampoline_lowered:
0x8: {  	[smem:$0x3FAB] =	sst s0  }
0x9: {  	[smem:$0x3FAC] =	sst s1  }
0xa: {  	[smem:$0x3FAD] =	sst s2  }
0xb: {  	[smem:$0x3FAE] =	sst s3  }
0xc: {  	[smem:$0x3FAF] =	sst s4  }
0xd: {  	[smem:$0x3FB0] =	sst s5  }
0xe: {  	[smem:$0x3FB1] =	sst s6  }
0xf: {  	[smem:$0x3FB2] =	sst s7  }
0x10: {  	[smem:$0x3FB3] =	sst s8  }
0x11: {  	[smem:$0x3FB4] =	sst s9;
	s0 =	simm.s32 @!p0 $0x0  }
0x12: {  	s1 =	sld [smem:$0x3F9A];
	s0 =	simm.s32 @p0 $0x1  }
0x13: {  	[smem:$0x3FB5] =	sst s0;
	s0 =	simm.s32 @!p1 $0x0  }
0x14: {  	s2 =	sld [smem:$0x3F99];
	s0 =	simm.s32 @p1 $0x1  }
0x15: {  	[smem:$0x3FB6] =	sst s0;
	s0 =	simm.s32 @!p2 $0x0  }
0x16: {  	s3 =	sld [smem:$0x3FDB];
	s0 =	simm.s32 @p2 $0x1  }
0x17: {  	s4 =	simm.s32 $0x1BF5;
	[smem:$0x3FB8] =	sst s0  }
0x18: {  	s0 =	sld [smem:$0x3F9B];
	_ =	swait.ge [sflag:s4], $0x0  }
0x19: {  	s7 =	sld [smem:$0x3F9C]  }
0x1a: {  	s8 =	sadd.s32 $0xFFFFE003, lr  }
0x1b: {  	s9 =	sadd.s32 $0xFFFFFEF7, lr;
	s5 =	simm.s32 $0xFFFFFFFF;
	p2 =	slt.u32 s8, $0xFFFFF086  }
0x1c: {  	p1 =	slt.u32 s9, $0xF7A;
	s5 =	simm.s32 @!p2 $0x0  }
0x1d: {  	s5 =	simm.s32 @p1 $0x1;
	p0 =	seq.s32 s7, s2  }
0x1e: {  	s7 =	smul.u32 @!p0 $0xF7A, s2;
	p2 =	seq.s32 @!p0 s5, $0x0  }
0x1f: {  	s9 =	smul.u32 $0xF7A, s1;
	s8 =	simm.s32 @!p0 $0x1BF5;
	p2 =	por !p2, p0  }
0x20: {  	[sflag:s8] =	ssyncset.s32 @!p0 $0xFFFFF086;
	s6 =	sadd.s32 @!p0 s3, s7;
	s7 =	simm.s32 @!p0 $0x108  }
0x21: {  	s3 =	sadd.s32 s3, s9;
	s6 =	sadd.s32 @!p0 $0x88, s6;
	s7 =	simm.s32 @p2 $0x1082  }
0x22: {  	[simem:s7], [sflag:s8] =	dma.local @!p0 [hbm:s6], $0xF7A  }
0x23: {  	s9 =	sor.u32 $0xD0000000, s2;
	s6 =	simm.s32 $0x108;
	_ =	swait.ge @!p0 [sflag:s8], $0x0  }
0x24: {  	s3 =	sadd.s32 $0x88, s3;
	s6 =	simm.s32 @!p1 $0x1082;
	[sflag:s4] =	ssyncset.s32 $0xFFFFF086  }
0x25: {  	[simem:s6], [sflag:s4] =	dma.local [hbm:s3], $0xF7A  }
0x26: {  	[smem:$0x3F9C] =	sst s1;
	(tag) =	ssettag s2;
	_ =	strace s9  }
0x27: {  	s1 =	sld [smem:$0x3FAC]  }
0x28: {  	s2 =	sld [smem:$0x3FAD]  }
0x29: {  	s4 =	sld [smem:$0x3FAF]  }
0x2a: {  	p0 =	seq.s32 s5, $0x0;
	s5 =	sld [smem:$0x3FB0]  }
0x2b: {  	s6 =	sld [smem:$0x3FB1]  }
0x2c: {  	s7 =	sld [smem:$0x3FB2]  }
0x2d: {  	s3 =	simm.s32 $0x108;
	s8 =	sld [smem:$0x3FB3]  }
0x2e: {  	s3 =	simm.s32 @!p0 $0x1082;
	s9 =	sld [smem:$0x3FB4]  }
0x2f: {  	lr =	sadd.s32 s0, s3;
	s0 =	sld [smem:$0x3FAB]  }
0x30: {  	s3 =	sld [smem:$0x3FAE]  }
0x31: {  	[smem:$0x3FB7] =	sst s10  }
0x32: {  	s10 =	sld [smem:$0x3FB5];
	_ =	sdelay $0x3  }
0x33: {  	p0 =	seq.s32 s10, $0x1;
	s10 =	sld [smem:$0x3FB7];
	_ =	sdelay $0x3  }
0x34: {  	[smem:$0x3FB7] =	sst s10  }
0x35: {  	s10 =	sld [smem:$0x3FB6];
	_ =	sdelay $0x3  }
0x36: {  	p1 =	seq.s32 s10, $0x1;
	s10 =	sld [smem:$0x3FB7];
	_ =	sdelay $0x3  }
0x37: {  	[smem:$0x3FB7] =	sst s10  }
0x38: {  	s10 =	sld [smem:$0x3FB8]  }
0x39: {  	_ = 	snop;
	(pc) =	sbr.ind lr, $3  }
0x3a: {  	_ = 	snop  }
0x3b: {  	_ = 	snop  }
0x3c: {  	p2 =	seq.s32 s10, $0x1;
	s10 =	sld [smem:$0x3FB7]  }
0x3d: {  	_ =	shalt  }
0x3e: {  	_ =	shalt  }
0x3f: {  	_ =	shalt  }
0x40: {  	_ =	shalt  }
0x41: {  	_ =	shalt  }
0x42: {  	_ =	shalt  }
0x43: {  	_ =	shalt  }
0x44: {  	_ =	shalt  }
0x45: {  	_ =	shalt  }
0x46: {  	_ =	shalt  }
0x47: {  	_ =	shalt  }
0x48: {  	_ =	shalt  }
0x49: {  	_ =	shalt  }
0x4a: {  	_ =	shalt  }
0x4b: {  	_ =	shalt  }
0x4c: {  	_ =	shalt  }
0x4d: {  	_ =	shalt  }
0x4e: {  	_ =	shalt  }
0x4f: {  	_ =	shalt  }
0x50: {  	_ =	shalt  }
0x51: {  	_ =	shalt  }
0x52: {  	_ =	shalt  }
0x53: {  	_ =	shalt  }
0x54: {  	_ =	shalt  }
0x55: {  	_ =	shalt  }
0x56: {  	_ =	shalt  }
0x57: {  	_ =	shalt  }
0x58: {  	_ =	shalt  }
0x59: {  	_ =	shalt  }
0x5a: {  	_ =	shalt  }
0x5b: {  	_ =	shalt  }
0x5c: {  	_ =	shalt  }
0x5d: {  	_ =	shalt  }
0x5e: {  	_ =	shalt  }
0x5f: {  	_ =	shalt  }
0x60: {  	_ =	shalt  }
0x61: {  	_ =	shalt  }
0x62: {  	_ =	shalt  }
0x63: {  	_ =	shalt  }
0x64: {  	_ =	shalt  }
0x65: {  	_ =	shalt  }
0x66: {  	_ =	shalt  }
0x67: {  	_ =	shalt  }
0x68: {  	_ =	shalt  }
0x69: {  	_ =	shalt  }
0x6a: {  	_ =	shalt  }
0x6b: {  	_ =	shalt  }
0x6c: {  	_ =	shalt  }
0x6d: {  	_ =	shalt  }
0x6e: {  	_ =	shalt  }
0x6f: {  	_ =	shalt  }
0x70: {  	_ =	shalt  }
0x71: {  	_ =	shalt  }
0x72: {  	_ =	shalt  }
0x73: {  	_ =	shalt  }
0x74: {  	_ =	shalt  }
0x75: {  	_ =	shalt  }
0x76: {  	_ =	shalt  }
0x77: {  	_ =	shalt  }
0x78: {  	_ =	shalt  }
0x79: {  	_ =	shalt  }
0x7a: {  	_ =	shalt  }
0x7b: {  	_ =	shalt  }
0x7c: {  	_ =	shalt  }
0x7d: {  	_ =	shalt  }
0x7e: {  	_ =	shalt  }
0x7f: {  	_ =	shalt  }
0x80: {  	_ =	shalt  }
0x81: {  	_ =	shalt  }
0x82: {  	_ =	shalt  }
0x83: {  	_ =	shalt  }
0x84: {  	_ =	shalt  }
0x85: {  	_ =	shalt  }
0x86: {  	_ =	shalt  }
0x87: {  	_ =	shalt  }
.Lfunc_end0:
.L_simem_size_0:
called_computation_lowered:
.L_overlay_start_0:
0x88: {  	s2 =	sld [smem:$0x3FD9]  }
0x89: {  	s3 =	sld [smem:$0x3FFE];
	_ =	sdelay $0x1  }
0x8a: {  	s1 =	srdreg.scid  }
0x8b: {  	s0 =	sand.u32 $0x1, s1  }
0x8c: {  	s17 =	sshll.u32 s0, $0xA;
	s2 =	sadd.s32 s3, s2  }
0x8d: {  	s2 =	sadd.s32 s2, s17  }
0x8e: {  	[smem:$0x3FC3] =	sst s2  }
0x8f: {  	_ = 	snop  }
0x90: {  	s2 =	sld [smem:$0x3FD0];
	(tm) =	ssettm $0x1  }
0x91: {  	s18 =	sld [smem:$0x3FFB];
	_ =	sdelay $0x3  }
0x92: {  	_ =	strace s18  }
0x93: {  	s3 =	sld [smem:$0x3FFC];
	_ =	sdelay $0x3  }
0x94: {  	_ =	strace s3  }
0x95: {  	s3 =	sld [smem:$0x3FFD];
	_ =	sdelay $0x3  }
0x96: {  	_ =	strace s3  }
0x97: {  	_ =	strace $0x8FFFFFFF  }
0x98: {  	s19 =	sld [smem:$0x3FDB];
	_ =	sdelay $0x1  }
0x99: {  	s4 =	simm.s32 $_scs_section_size  }
0x9a: {  	s5 =	simm.s32 $_size__tile_overlayer_lowered;
	s6 =	simm.s32 $_tile_overlayer_lowered  }
0x9b: {  	s22 =	simm.s32 $0x1BFF;
	s21 =	sshll.u32 s6, $0x1;
	s3 =	sadd.s32 s4, s19  }
0x9c: {  	s7 =	simm.s32 $0x0;
	s20 =	sshll.u32 s5, $0x1;
	s5 =	sadd.s32 s21, s3  }
0x9d: {  	[timem:s7], [sflag:s22] =	dma.local [hbm:s5], s20  }
0x9e: {  	_ =	swait.ge [sflag:s22], s20  }
0x9f: {  	s4 =	ssub.s32 $0x0, s20;
	[sflag:s22] =	ssyncset.done $0x0  }
0xa0: {  	[sflag:s22] =	ssyncadd.s32 s4;
	_ =	sdelay $0x1  }
0xa1: {  	s23 =	simm.s32 $0x1B8B  }
0xa2: {  	_ =	swait.ge [sflag:s23], $0x1  }
0xa3: {  	[sflag:s23] =	ssyncset.done $0x0  }
0xa4: {  	s25 =	simm.s32 $0x1B8E;
	s24 =	sld [smem:$0x3FFE];
	[sflag:s23] =	ssyncadd.s32 $0xFFFFFFFF  }
0xa5: {  	s26 =	simm.s32 $execute0_lowered;
	[smem:$0x3FD2] =	sst s25  }
0xa6: {  	s5 =	sshll.u32 s26, $0x1;
	_ =	strace $0x80000046;
	[dreg:$0x1] =	wrdreg $0xFFFFFFFF  }
0xa7: {  	s28 =	simm.s32 $_size_execute0_lowered;
	s3 =	sadd.s32 s3, s5;
	[dreg:$0x0] =	wrdreg $0x0  }
0xa8: {  	s5 =	sshll.u32 s28, $0x1;
	[dreg:$0x2] =	wrdreg s3  }
0xa9: {  	[dreg:$0x3] =	wrdreg s5  }
0xaa: {  	[dreg:$0x4] =	wrdreg $0xC0  }
0xab: {  	_ =	task [dreg:s7], $0x5FFFF  }
0xac: {  	[dreg:$0x1] =	wrdreg $0xFFFFFFFF  }
0xad: {  	[dreg:$0x0] =	wrdreg $0x60  }
0xae: {  	[dreg:$0x2] =	wrdreg s24  }
0xaf: {  	[dreg:$0x3] =	wrdreg s2  }
0xb0: {  	[dreg:$0x4] =	wrdreg $0x9  }
0xb1: {  	_ =	task.clear_ibuf [dreg:s7], $0x5FFFF;
	_ =	strace $0x90000046  }
0xb2: {  	s29 =	simm.s32 $0x9;
	_ =	strace $0x80000048  }
0xb3: {  	_ =	swait.ge [sflag:s29], $0x1  }
0xb4: {  	[sflag:s29] =	ssyncadd.s32 $0xFFFFFFFF  }
0xb5: {  	_ =	strace $0x90000048  }
0xb6: {  	_ =	sfence  }
0xb7: {  	s30 =	sld [smem:$0x0];
	_ =	sdelay $0x2  }
0xb8: {  	s31 =	sshll.u32 s1, $0xD;
	s1 =	sshrl.u32 s1, $0x2  }
0xb9: {  	s3 =	sand.u32 $0x4000, s31;
	s1 =	sadd.s32 s1, s30  }
0xba: {  	s0 =	sor.u32 s3, s0;
	s1 =	sshll.u32 s1, $0x11  }
0xbb: {  	s0 =	sor.u32 s1, s0  }
0xbc: {  	s0 =	sadd.s32 $0x8F2B, s0  }
0xbd: {  	[sflag:s0] =	ssyncadd.remote.s32 $0x1  }
0xbe: {  	_ =	sfence.sel $0xFFFF  }
0xbf: {  	[dreg:$0x0] =	wrdreg $0xFFFFFFFF;
	(pc) =	sbr.abs _section_cstart, $3  }
0xc0: {  	[dreg:$0x1] =	wrdreg $0xFFFFFFFF  }
0xc1: {  	_ =	task.clear_ibuf [dreg:s7], $0x2FFFF;
	_ =	strace $0x9FFFFFFF  }
0xc2: {  	(tm) =	ssettm $0x7FFFFFFF  }
0xc3: {  	_ =	shalt  }
tec
execute0_lowered:
.L_overlay_start_1:
0x0: {  	(tag) =	ssettag $0x1  }
0x1: {  	s1 =	srdreg.scid;
	s0 =	stileid.u32  }
0x2: {  	s31 =	sand.u32 $0x1, s1;
	s26 =	sshll.u32 s0, $0x1  }
0x3: {  	s1 =	sor.u32 s31, s26  }
0x4: {  	s5 =	rddreg [dreg:$0x0];
	s3 =	smul.u32 $0xC8, s1  }
0x5: {  	s30 =	rddreg [dreg:$0x1];
	s2 =	simm.s32 $0x0  }
0x6: {  	[smem:$0x7FF] =	sst s2;
	s3 =	sadd.s32 s3, s5  }
0x7: {  	_ =	strace $0x80000047;
	s4 =	sadd.s32 $0x600, s3;
	s3 =	simm.s32 $0x2  }
0x8: {  	[tilespmem:s2], [sflag:$0x2] =	stream.linear.gather [hbm4b:s4+s2], $0x640, $0x38;
	[tilespmem:$0x19680] =	vst v63  }
0x9: {  	_ =	swait.ge [sflag:s3], $0x640  }
0xa: {  	s6 =	simm.s32 $0x80;
	[sflag:s3] =	ssyncset.done $0x0  }
0xb: {  	s7 =	simm.s32 $0x680;
	s5 =	sadd.s32 $0x2000, s5;
	[sflag:s3] =	ssyncadd.s32 $0xFFFFF9C0  }
0xc: {  	[tilespmem:s7], [sflag:$0x1] =	stream.indirect.gather [hbm4b:s5+s6], $0x80, s2, s6, $0xb8;
	[tilespmem:$0x19680] =	vst v63  }
0xd: {  	s8 =	simm.s32 $0x4680  }
0xe: {  	[tilespmem:s8], [sflag:$0x1] =	stream.indirect.gather [hbm4b:s5+s6], $0x80, s6, s6, $0xb8;
	[tilespmem:$0x19680] =	vst v63  }
0xf: {  	s9 =	simm.s32 $0x100;
	s10 =	simm.s32 $0x8680  }
0x10: {  	[tilespmem:s10], [sflag:$0x1] =	stream.indirect.gather [hbm4b:s5+s6], $0x80, s9, s6, $0xb8;
	[tilespmem:$0x19680] =	vst v63  }
0x11: {  	s11 =	simm.s32 $0x180;
	s12 =	simm.s32 $0xC680  }
0x12: {  	[tilespmem:s12], [sflag:$0x1] =	stream.indirect.gather [hbm4b:s5+s6], $0x80, s11, s6, $0xb8;
	[tilespmem:$0x19680] =	vst v63  }
0x13: {  	s13 =	simm.s32 $0x200;
	s14 =	simm.s32 $0x10680  }
0x14: {  	[tilespmem:s14], [sflag:$0x1] =	stream.indirect.gather [hbm4b:s5+s6], $0x80, s13, s6, $0xb8;
	[tilespmem:$0x19680] =	vst v63  }
0x15: {  	s15 =	simm.s32 $0x280;
	s16 =	simm.s32 $0x14680;
	s17 =	simm.s32 $0x20  }
0x16: {  	[tilespmem:s16], [sflag:$0x1] =	stream.indirect.gather [hbm4b:s5+s6], $0x80, s15, s6, $0xb8;
	[tilespmem:$0x19680] =	vst v63  }
0x17: {  	s18 =	simm.s32 $0x300;
	s19 =	simm.s32 $0x18680;
	s20 =	simm.s32 $0x1  }
0x18: {  	[tilespmem:s19], [sflag:$0x1] =	stream.indirect.gather [hbm4b:s5+s17], $0x80, s18, s17, $0xb8;
	[tilespmem:$0x19680] =	vst v63  }
0x19: {  	_ =	swait.ge [sflag:s20], $0x4000  }
0x1a: {  	[sflag:s20] =	ssyncset.done $0x0  }
0x1b: {  	[sflag:s20] =	ssyncadd.s32 $0xFFFFC000  }
0x1c: {  	_ =	swait.ge [sflag:s20], $0x4000  }
0x1d: {  	[sflag:s20] =	ssyncset.done $0x0  }
0x1e: {  	[sflag:s20] =	ssyncadd.s32 $0xFFFFC000  }
0x1f: {  	_ =	swait.ge [sflag:s20], $0x4000  }
0x20: {  	[sflag:s20] =	ssyncset.done $0x0  }
0x21: {  	[sflag:s20] =	ssyncadd.s32 $0xFFFFC000  }
0x22: {  	_ =	swait.ge [sflag:s20], $0x4000  }
0x23: {  	[sflag:s20] =	ssyncset.done $0x0  }
0x24: {  	[sflag:s20] =	ssyncadd.s32 $0xFFFFC000  }
0x25: {  	_ =	swait.ge [sflag:s20], $0x4000  }
0x26: {  	[sflag:s20] =	ssyncset.done $0x0  }
0x27: {  	[sflag:s20] =	ssyncadd.s32 $0xFFFFC000  }
0x28: {  	_ =	swait.ge [sflag:s20], $0x4000  }
0x29: {  	[sflag:s20] =	ssyncset.done $0x0  }
0x2a: {  	[sflag:s20] =	ssyncadd.s32 $0xFFFFC000  }
0x2b: {  	s21 =	smul.u32 $0x6400, s1;
	_ =	swait.ge [sflag:s20], $0x1000  }
0x2c: {  	[sflag:s20] =	ssyncset.done $0x0  }
0x2d: {  	s21 =	sadd.s32 s30, s21;
	[sflag:s20] =	ssyncadd.s32 $0xFFFFF000  }
0x2e: {  	[hbm4b:s21+s2] =	stream.linear.scatter [tilespmem:s7], [sflag:$0x2], $0x19000, $0x38;
	[tilespmem:$0x19680] =	vst v63  }
0x2f: {  	_ =	swait.ge [sflag:s3], $0x19000  }
0x30: {  	[sflag:s3] =	ssyncset.done $0x0  }
0x31: {  	s22 =	simm.s32 $0x320;
	[sflag:s3] =	ssyncadd.s32 $0xFFFE7000  }
0x32: {  	[tilespmem:s7], [sflag:$0x1] =	stream.indirect.gather [hbm4b:s5+s6], $0x80, s22, s6, $0xb8;
	[tilespmem:$0x19680] =	vst v63  }
0x33: {  	s23 =	simm.s32 $0x3A0  }
0x34: {  	[tilespmem:s8], [sflag:$0x1] =	stream.indirect.gather [hbm4b:s5+s6], $0x80, s23, s6, $0xb8;
	[tilespmem:$0x19680] =	vst v63  }
0x35: {  	s24 =	simm.s32 $0x420  }
0x36: {  	[tilespmem:s10], [sflag:$0x1] =	stream.indirect.gather [hbm4b:s5+s6], $0x80, s24, s6, $0xb8;
	[tilespmem:$0x19680] =	vst v63  }
0x37: {  	s25 =	simm.s32 $0x4A0  }
0x38: {  	[tilespmem:s12], [sflag:$0x1] =	stream.indirect.gather [hbm4b:s5+s6], $0x80, s25, s6, $0xb8;
	[tilespmem:$0x19680] =	vst v63  }
0x39: {  	s26 =	simm.s32 $0x520  }
0x3a: {  	[tilespmem:s14], [sflag:$0x1] =	stream.indirect.gather [hbm4b:s5+s6], $0x80, s26, s6, $0xb8;
	[tilespmem:$0x19680] =	vst v63  }
0x3b: {  	s28 =	simm.s32 $0x5A0  }
0x3c: {  	[tilespmem:s16], [sflag:$0x1] =	stream.indirect.gather [hbm4b:s5+s6], $0x80, s28, s6, $0xb8;
	[tilespmem:$0x19680] =	vst v63  }
0x3d: {  	s29 =	simm.s32 $0x620  }
0x3e: {  	[tilespmem:s19], [sflag:$0x1] =	stream.indirect.gather [hbm4b:s5+s17], $0x80, s29, s17, $0xb8;
	[tilespmem:$0x19680] =	vst v63  }
0x3f: {  	_ =	swait.ge [sflag:s20], $0x4000  }
0x40: {  	[sflag:s20] =	ssyncset.done $0x0  }
0x41: {  	[sflag:s20] =	ssyncadd.s32 $0xFFFFC000  }
0x42: {  	_ =	swait.ge [sflag:s20], $0x4000  }
0x43: {  	[sflag:s20] =	ssyncset.done $0x0  }
0x44: {  	[sflag:s20] =	ssyncadd.s32 $0xFFFFC000  }
0x45: {  	_ =	swait.ge [sflag:s20], $0x4000  }
0x46: {  	[sflag:s20] =	ssyncset.done $0x0  }
0x47: {  	[sflag:s20] =	ssyncadd.s32 $0xFFFFC000  }
0x48: {  	_ =	swait.ge [sflag:s20], $0x4000  }
0x49: {  	[sflag:s20] =	ssyncset.done $0x0  }
0x4a: {  	[sflag:s20] =	ssyncadd.s32 $0xFFFFC000  }
0x4b: {  	_ =	swait.ge [sflag:s20], $0x4000  }
0x4c: {  	[sflag:s20] =	ssyncset.done $0x0  }
0x4d: {  	s31 =	ssub.s32 $0x2, s31;
	[sflag:s20] =	ssyncadd.s32 $0xFFFFC000  }
0x4e: {  	s0 =	sshrl.u32 s31, $0x1;
	_ =	swait.ge [sflag:s20], $0x4000  }
0x4f: {  	s1 =	smul.u32 $0x32000, s1;
	s0 =	ssub.s32 s31, s0;
	[sflag:s20] =	ssyncset.done $0x0  }
0x50: {  	s0 =	smax.u32 s0, $0x1;
	[sflag:s20] =	ssyncadd.s32 $0xFFFFC000  }
0x51: {  	s1 =	sshrl.u32 s1, $0x3;
	p0 =	sne.s32 s0, $0x1;
	_ =	swait.ge [sflag:s20], $0x1000  }
.Ltmp0:
0x52: {  	s1 =	sadd.s32 s30, s1;
	[sflag:s20] =	ssyncset.done $0x0;
	(pc) =	sbr.rel @!p0 .LBB2_2-.Ltmp0, $4  }
0x53: {  	s30 =	sadd.s32 $0x3200, s1;
	[sflag:s20] =	ssyncadd.s32 $0xFFFFF000  }
0x54: {  	[hbm4b:s30+s2] =	stream.linear.scatter [tilespmem:s7], [sflag:$0x2], $0x19000, $0x38;
	[tilespmem:$0x19680] =	vst v63  }
0x55: {  	_ =	swait.ge [sflag:s3], $0x19000  }
0x56: {  	s31 =	sadd.s32 $0xFFFFFFFF, s0;
	[sflag:s3] =	ssyncset.done $0x0  }
.LBB2_1:
0x57: {  	p0 =	sne.s32 s31, $0x1;
	s31 =	sadd.s32 $0xFFFFFFFF, s31;
	[sflag:s3] =	ssyncadd.s32 $0xFFFE7000  }
0x58: {  	[tilespmem:s2], [sflag:$0x2] =	stream.linear.gather [hbm4b:s4+s2], $0x640, $0x38;
	[tilespmem:$0x19680] =	vst v63  }
0x59: {  	_ =	swait.ge [sflag:s3], $0x640  }
0x5a: {  	[sflag:s3] =	ssyncset.done $0x0  }
0x5b: {  	[sflag:s3] =	ssyncadd.s32 $0xFFFFF9C0  }
0x5c: {  	[tilespmem:s7], [sflag:$0x1] =	stream.indirect.gather [hbm4b:s5+s6], $0x80, s2, s6, $0xb8;
	[tilespmem:$0x19680] =	vst v63  }
0x5d: {  	_ = 	snop  }
0x5e: {  	[tilespmem:s8], [sflag:$0x1] =	stream.indirect.gather [hbm4b:s5+s6], $0x80, s6, s6, $0xb8;
	[tilespmem:$0x19680] =	vst v63  }
0x5f: {  	_ = 	snop  }
0x60: {  	[tilespmem:s10], [sflag:$0x1] =	stream.indirect.gather [hbm4b:s5+s6], $0x80, s9, s6, $0xb8;
	[tilespmem:$0x19680] =	vst v63  }
0x61: {  	_ = 	snop  }
0x62: {  	[tilespmem:s12], [sflag:$0x1] =	stream.indirect.gather [hbm4b:s5+s6], $0x80, s11, s6, $0xb8;
	[tilespmem:$0x19680] =	vst v63  }
0x63: {  	_ = 	snop  }
0x64: {  	[tilespmem:s14], [sflag:$0x1] =	stream.indirect.gather [hbm4b:s5+s6], $0x80, s13, s6, $0xb8;
	[tilespmem:$0x19680] =	vst v63  }
0x65: {  	_ = 	snop  }
0x66: {  	[tilespmem:s16], [sflag:$0x1] =	stream.indirect.gather [hbm4b:s5+s6], $0x80, s15, s6, $0xb8;
	[tilespmem:$0x19680] =	vst v63  }
0x67: {  	_ = 	snop  }
0x68: {  	[tilespmem:s19], [sflag:$0x1] =	stream.indirect.gather [hbm4b:s5+s17], $0x80, s18, s17, $0xb8;
	[tilespmem:$0x19680] =	vst v63  }
0x69: {  	_ =	swait.ge [sflag:s20], $0x4000  }
0x6a: {  	[sflag:s20] =	ssyncset.done $0x0  }
0x6b: {  	[sflag:s20] =	ssyncadd.s32 $0xFFFFC000  }
0x6c: {  	_ =	swait.ge [sflag:s20], $0x4000  }
0x6d: {  	[sflag:s20] =	ssyncset.done $0x0  }
0x6e: {  	[sflag:s20] =	ssyncadd.s32 $0xFFFFC000  }
0x6f: {  	_ =	swait.ge [sflag:s20], $0x4000  }
0x70: {  	[sflag:s20] =	ssyncset.done $0x0  }
0x71: {  	[sflag:s20] =	ssyncadd.s32 $0xFFFFC000  }
0x72: {  	_ =	swait.ge [sflag:s20], $0x4000  }
0x73: {  	[sflag:s20] =	ssyncset.done $0x0  }
0x74: {  	[sflag:s20] =	ssyncadd.s32 $0xFFFFC000  }
0x75: {  	_ =	swait.ge [sflag:s20], $0x4000  }
0x76: {  	[sflag:s20] =	ssyncset.done $0x0  }
0x77: {  	[sflag:s20] =	ssyncadd.s32 $0xFFFFC000  }
0x78: {  	_ =	swait.ge [sflag:s20], $0x4000  }
0x79: {  	[sflag:s20] =	ssyncset.done $0x0  }
0x7a: {  	[sflag:s20] =	ssyncadd.s32 $0xFFFFC000  }
0x7b: {  	_ =	swait.ge [sflag:s20], $0x1000  }
0x7c: {  	[sflag:s20] =	ssyncset.done $0x0  }
0x7d: {  	[sflag:s20] =	ssyncadd.s32 $0xFFFFF000  }
0x7e: {  	[hbm4b:s21+s2] =	stream.linear.scatter [tilespmem:s7], [sflag:$0x2], $0x19000, $0x38;
	[tilespmem:$0x19680] =	vst v63  }
0x7f: {  	_ =	swait.ge [sflag:s3], $0x19000  }
0x80: {  	[sflag:s3] =	ssyncset.done $0x0  }
0x81: {  	[sflag:s3] =	ssyncadd.s32 $0xFFFE7000  }
0x82: {  	[tilespmem:s7], [sflag:$0x1] =	stream.indirect.gather [hbm4b:s5+s6], $0x80, s22, s6, $0xb8;
	[tilespmem:$0x19680] =	vst v63  }
0x83: {  	_ = 	snop  }
0x84: {  	[tilespmem:s8], [sflag:$0x1] =	stream.indirect.gather [hbm4b:s5+s6], $0x80, s23, s6, $0xb8;
	[tilespmem:$0x19680] =	vst v63  }
0x85: {  	_ = 	snop  }
0x86: {  	[tilespmem:s10], [sflag:$0x1] =	stream.indirect.gather [hbm4b:s5+s6], $0x80, s24, s6, $0xb8;
	[tilespmem:$0x19680] =	vst v63  }
0x87: {  	_ = 	snop  }
0x88: {  	[tilespmem:s12], [sflag:$0x1] =	stream.indirect.gather [hbm4b:s5+s6], $0x80, s25, s6, $0xb8;
	[tilespmem:$0x19680] =	vst v63  }
0x89: {  	_ = 	snop  }
0x8a: {  	[tilespmem:s14], [sflag:$0x1] =	stream.indirect.gather [hbm4b:s5+s6], $0x80, s26, s6, $0xb8;
	[tilespmem:$0x19680] =	vst v63  }
0x8b: {  	_ = 	snop  }
0x8c: {  	[tilespmem:s16], [sflag:$0x1] =	stream.indirect.gather [hbm4b:s5+s6], $0x80, s28, s6, $0xb8;
	[tilespmem:$0x19680] =	vst v63  }
0x8d: {  	_ = 	snop  }
0x8e: {  	[tilespmem:s19], [sflag:$0x1] =	stream.indirect.gather [hbm4b:s5+s17], $0x80, s29, s17, $0xb8;
	[tilespmem:$0x19680] =	vst v63  }
0x8f: {  	_ =	swait.ge [sflag:s20], $0x4000  }
0x90: {  	[sflag:s20] =	ssyncset.done $0x0  }
0x91: {  	[sflag:s20] =	ssyncadd.s32 $0xFFFFC000  }
0x92: {  	_ =	swait.ge [sflag:s20], $0x4000  }
0x93: {  	[sflag:s20] =	ssyncset.done $0x0  }
0x94: {  	[sflag:s20] =	ssyncadd.s32 $0xFFFFC000  }
0x95: {  	_ =	swait.ge [sflag:s20], $0x4000  }
0x96: {  	[sflag:s20] =	ssyncset.done $0x0  }
0x97: {  	[sflag:s20] =	ssyncadd.s32 $0xFFFFC000  }
0x98: {  	_ =	swait.ge [sflag:s20], $0x4000  }
0x99: {  	[sflag:s20] =	ssyncset.done $0x0  }
0x9a: {  	[sflag:s20] =	ssyncadd.s32 $0xFFFFC000  }
0x9b: {  	_ =	swait.ge [sflag:s20], $0x4000  }
0x9c: {  	[sflag:s20] =	ssyncset.done $0x0  }
0x9d: {  	[sflag:s20] =	ssyncadd.s32 $0xFFFFC000  }
0x9e: {  	_ =	swait.ge [sflag:s20], $0x4000  }
0x9f: {  	[sflag:s20] =	ssyncset.done $0x0  }
0xa0: {  	[sflag:s20] =	ssyncadd.s32 $0xFFFFC000  }
0xa1: {  	_ =	swait.ge [sflag:s20], $0x1000  }
.Ltmp1:
0xa2: {  	[sflag:s20] =	ssyncset.done $0x0;
	(pc) =	sbr.rel @p0 .LBB2_1-.Ltmp1, $4  }
0xa3: {  	[sflag:s20] =	ssyncadd.s32 $0xFFFFF000  }
0xa4: {  	[hbm4b:s30+s2] =	stream.linear.scatter [tilespmem:s7], [sflag:$0x2], $0x19000, $0x38;
	[tilespmem:$0x19680] =	vst v63  }
0xa5: {  	_ =	swait.ge [sflag:s3], $0x19000  }
0xa6: {  	[sflag:s3] =	ssyncset.done $0x0  }
.LBB2_2:
0xa7: {  	[sflag:s3] =	ssyncadd.s32 $0xFFFE7000  }
0xa8: {  	_ =	sfence.sel $0x180000  }
0xa9: {  	[bflag:$0x0] =	sbarrier.arrive $0xFFFF  }
0xaa: {  	_ =	strace $0x90000047  }
0xab: {  	s0 =	stileid.u32;
	[bflag:$0x2] =	sbarrier.arrive $0xFFFF  }
0xac: {  	p0 =	sne.s32 s0, $0x0;
	s0 =	rddreg [dreg:$0x2]  }
0xad: {  	s0 =	sadd.s32 @!p0 $0x100000, s0  }
0xae: {  	[sflag:s0] =	ssyncadd.tile.s32 @!p0 $0x1;
	_ =	shalt  }
.Lfunc_end2:
_tile_overlayer_lowered:
.L_overlay_start_2:
0xaf: {  	(tag) =	ssettag $0x2  }
0xb0: {  	s0 =	rddreg [dreg:$0x0];
	s2 =	stileid.u32  }
0xb1: {  	s1 =	rddreg [dreg:$0x1];
	p0 =	sne.s32 s2, $0x0  }
0xb2: {  	s3 =	rddreg [dreg:$0x2];
	[bflag:$0x3] =	sbarrier.arrive $0xFFFF;
	s2 =	simm.s32 @!p0 $0x1C02  }
0xb3: {  	[timem:s3], [sflag:s2] =	dma.local @!p0 [hbm:s0], s1  }
0xb4: {  	s0 =	simm.s32 @!p0 $0x2  }
0xb5: {  	_ =	swait.ge @!p0 [sflag:s0], s1  }
0xb6: {  	s1 =	ssub.s32 @!p0 $0x0, s1;
	[sflag:s0] =	ssyncset.done @!p0 $0x0  }
0xb7: {  	[sflag:s0] =	ssyncadd.s32 @!p0 s1  }
0xb8: {  	[bflag:$0x3] =	sbarrier.arrive $0xFFFF  }
0xb9: {  	_ =	shalt  }

</sc_bundles>
